<compile_context>
chip_gen: v7x
topology: tpu7x:2x2x1
jax: 0.10.2.dev20260603
libtpu: 0.0.44.dev20260713+nightly
codegen_flags: <defaults>
</compile_context>

<pallas_src>
import dataclasses
import functools

import jax
import jax.numpy as jnp
from jax import lax
from jax.experimental import pallas as pl
from jax.experimental.pallas import tpu as pltpu
from jax.experimental.pallas import tpu_sc as plsc

_BINS = 100
_LANES = 128
_SC_L = 16
_CHUNK = 16384
_UNROLL = 16
_MM_BC = 32768


def _minmax_body(y_ref, e_ref, min_ref, max_ref):
    @pl.when(pl.program_id(1) == 0)
    def _init():
        min_ref[...] = jnp.full(min_ref.shape, jnp.inf, jnp.float32)
        max_ref[...] = jnp.full(max_ref.shape, -jnp.inf, jnp.float32)

    lane = jax.lax.broadcasted_iota(jnp.int32, min_ref.shape, 2)
    ymin = jnp.min(y_ref[...])
    emin = jnp.min(e_ref[...])
    ymax = jnp.max(y_ref[...])
    emax = jnp.max(e_ref[...])
    minv = jnp.where(lane == 0, ymin, jnp.where(lane == 1, emin, jnp.inf))
    maxv = jnp.where(lane == 0, ymax, jnp.where(lane == 1, emax, -jnp.inf))
    min_ref[...] = jnp.minimum(min_ref[...], minv)
    max_ref[...] = jnp.maximum(max_ref[...], maxv)


def _tc_minmax(y, e):
    b, n = y.shape
    ncore = 2
    g2 = n // (_MM_BC * ncore)
    data_spec = pl.BlockSpec((b, _MM_BC), lambda i, j: (0, i * g2 + j))
    return pl.pallas_call(
        _minmax_body,
        grid=(ncore, g2),
        in_specs=[data_spec, data_spec],
        out_specs=[
            pl.BlockSpec((1, 8, _LANES), lambda i, j: (i, 0, 0)),
            pl.BlockSpec((1, 8, _LANES), lambda i, j: (i, 0, 0)),
        ],
        out_shape=[
            jax.ShapeDtypeStruct((ncore, 8, _LANES), jnp.float32),
            jax.ShapeDtypeStruct((ncore, 8, _LANES), jnp.float32),
        ],
        compiler_params=pltpu.CompilerParams(
            dimension_semantics=("parallel", "arbitrary")),
    )(y, e)


def _sc_hist(yb, eb, params):
    b, n = yb.shape
    ncol = n // _CHUNK
    mesh = plsc.VectorSubcoreMesh(core_axis_name="c", subcore_axis_name="s")
    acc_words = _SC_L * _LANES

    cp = pltpu.CompilerParams()
    if "needs_layout_passes" in pltpu.CompilerParams.__dataclass_fields__:
        cp = dataclasses.replace(cp, needs_layout_passes=False)

    @functools.partial(
        pl.kernel,
        mesh=mesh,
        compiler_params=cp,
        out_type=[
            jax.ShapeDtypeStruct((32, _LANES, _SC_L), jnp.float32),
            jax.ShapeDtypeStruct((32, _LANES, _SC_L), jnp.float32),
        ],
        scratch_types=[
            pltpu.VMEM((64,), jnp.float32),
            pltpu.VMEM((_LANES, _SC_L), jnp.float32),
            pltpu.VMEM((_LANES, _SC_L), jnp.float32),
        ],
    )
    def hist_kernel(y_hbm, e_hbm, p_hbm, oy_hbm, oe_hbm, p_v, hy_v, he_v):
        wid = lax.axis_index("s") * 2 + lax.axis_index("c")
        pltpu.sync_copy(p_hbm, p_v)
        yoff = p_v[pl.ds(0, _SC_L)]
        ysc = p_v[pl.ds(_SC_L, _SC_L)]
        eoff = p_v[pl.ds(2 * _SC_L, _SC_L)]
        esc = p_v[pl.ds(3 * _SC_L, _SC_L)]
        zero16 = jnp.zeros((_SC_L,), jnp.float32)
        one16 = jnp.full((_SC_L,), 1.0, jnp.float32)
        i99 = jnp.full((_SC_L,), _BINS - 1, jnp.int32)
        lane = lax.iota(jnp.int32, _SC_L)

        @pl.loop(0, _LANES)
        def _zero(i):
            hy_v.at[i][...] = zero16
            he_v.at[i][...] = zero16

        def body(y_blk, e_blk):
            yrow = y_blk.at[0]
            erow = e_blk.at[0]

            @plsc.parallel_loop(0, _CHUNK, step=_SC_L, unroll=_UNROLL)
            def _(c):
                x = yrow[pl.ds(c, _SC_L)]
                xi = (x * ysc - yoff).astype(jnp.int32)
                xi = jnp.minimum(xi, i99)
                plsc.addupdate_scatter(hy_v, [xi, lane], one16)
                z = erow[pl.ds(c, _SC_L)]
                zi = (z * esc - eoff).astype(jnp.int32)
                zi = jnp.minimum(zi, i99)
                plsc.addupdate_scatter(he_v, [zi, lane], one16)

        pltpu.emit_pipeline(
            body,
            grid=(b, ncol),
            in_specs=[
                pl.BlockSpec((1, _CHUNK), lambda i, j: (i, j)),
                pl.BlockSpec((1, _CHUNK), lambda i, j: (i, j)),
            ],
            out_specs=[],
            core_axis_name=("c", "s"),
            dimension_semantics=(pltpu.PARALLEL, pltpu.PARALLEL),
        )(y_hbm, e_hbm)

        pltpu.sync_copy(hy_v, oy_hbm.at[wid])
        pltpu.sync_copy(he_v, oe_hbm.at[wid])

    return hist_kernel(yb, eb, params)


def _combine_body(hy_ref, he_ref, loss_ref):
    d = hy_ref[...] - he_ref[...]
    s = jnp.sum(d, axis=0)
    s = jnp.sum(s, axis=1, keepdims=True)
    loss_ref[...] = jnp.sum(s * s).reshape(1, 1)


def kernel(y, y_est):
    mins, maxs = _tc_minmax(y, y_est)

    ymn = jnp.min(mins[..., 0])
    emn = jnp.min(mins[..., 1])
    ymx = jnp.max(maxs[..., 0])
    emx = jnp.max(maxs[..., 1])
    one = jnp.float32(1.0)
    yrng = jnp.where(ymx > ymn, ymx - ymn, one)
    erng = jnp.where(emx > emn, emx - emn, one)
    ysc = _BINS / yrng
    esc = _BINS / erng
    yoff = ymn * ysc
    eoff = emn * esc
    params = jnp.concatenate([
        jnp.full((_SC_L,), v, jnp.float32) for v in (yoff, ysc, eoff, esc)
    ])

    hy, he = _sc_hist(y, y_est, params)

    loss = pl.pallas_call(
        _combine_body,
        out_shape=jax.ShapeDtypeStruct((1, 1), jnp.float32),
    )(hy, he)

    return loss[0, 0]

# --- scband reference (transcript-rebuilt; emitter-appended) ---
"""Pipeline reference for scband-hist-loss-962072674520 (READ-ONLY COPY).

The authoritative reference and input builder live on the scoring server;
editing this copy changes nothing except your own understanding.
"""

import jax, jax.numpy as jnp
import numpy as np

HIST_WEIGHT = 1.0
BINS = 100  # torch.histc default


def _histc(x, bins=BINS):
    # Faithful to torch.histc(x) with bins=100, min=0, max=0:
    # when min == max, range is taken from data min/max; x == max goes in last bin.
    x = x.reshape(-1)
    mn = jnp.min(x)
    mx = jnp.max(x)
    rng = jnp.where(mx > mn, mx - mn, jnp.asarray(1.0, x.dtype))
    idx = jnp.clip(jnp.floor((x - mn) / rng * bins).astype(jnp.int32), 0, bins - 1)
    counts = jax.ops.segment_sum(jnp.ones_like(x), idx, num_segments=bins)
    return counts


def setup_inputs(seed: int = 0) -> dict:
    key = jax.random.key(seed)
    k1, k2 = jax.random.split(key)
    y = jax.random.normal(k1, (32, 1048576), dtype=jnp.float32)
    y_est = jax.random.normal(k2, (32, 1048576), dtype=jnp.float32)
    return {"y": y, "y_est": y_est}


def reference(y, y_est):
    # y.view(B, -1) then histc over the whole tensor (histc flattens anyway)
    y_hist = _histc(y.reshape(y.shape[0], -1))
    y_est_hist = _histc(y_est.reshape(y_est.shape[0], -1))
    loss = jnp.sum(jnp.power(y_hist - y_est_hist, 2))
    return loss * HIST_WEIGHT

if __name__ == "__main__":
    import jax
    _d = setup_inputs()
    print(jax.jit(kernel)(*tuple(_d.values())))

</pallas_src>

<mosaic_0001>
#map = affine_map<(d0, d1) -> (0, 0)>
#map1 = affine_map<(d0, d1) -> (0)>
#map2 = affine_map<(d0, d1) -> (0, 0, 0)>
module attributes {stable_mosaic.version = 14 : i64} {
  func.func @hist_kernel(%arg0: i32, %arg1: i32, %arg2: memref<32x1048576xf32, #tpu.memory_space<hbm>>, %arg3: memref<32x1048576xf32, #tpu.memory_space<hbm>>, %arg4: memref<64xf32, #tpu.memory_space<hbm>>, %arg5: memref<32x128x16xf32, #tpu.memory_space<hbm>>, %arg6: memref<32x128x16xf32, #tpu.memory_space<hbm>>, %arg7: memref<64xf32, #tpu.memory_space<vmem>>, %arg8: memref<128x16xf32, #tpu.memory_space<vmem>>, %arg9: memref<128x16xf32, #tpu.memory_space<vmem>>) attributes {dimension_semantics = [#tpu.dimension_semantics<core_parallel>, #tpu.dimension_semantics<subcore_parallel>], iteration_bounds = array<i64: 2, 16>, scalar_prefetch = 0 : i64, scratch_operands = 3 : i64, tpu.core_type = #tpu.core_type<sc_vector_subcore>, window_params = [{transform_indices = #map}, {transform_indices = #map}, {transform_indices = #map1}, {transform_indices = #map2}, {transform_indices = #map2}]} {
    %mul3A = arith.constant 2 : i32
    %mul3A_0 = arith.muli %arg1, %mul3A : i32
    %add3A = arith.addi %mul3A_0, %arg0 : i32
    "tpu.region"() ({
      %run_scoped3A = tpu.sem_alloc : memref<!tpu.dma_semaphore, #tpu.memory_space<semaphore_mem>>
      tpu.enqueue_dma source(%arg4 : memref<64xf32, #tpu.memory_space<hbm>>) target(%arg7 : memref<64xf32, #tpu.memory_space<vmem>>) target_semaphore(%run_scoped3A : memref<!tpu.dma_semaphore, #tpu.memory_space<semaphore_mem>>)
      tpu.wait_dma2 semaphore(%run_scoped3A : memref<!tpu.dma_semaphore, #tpu.memory_space<semaphore_mem>>) src(%arg4 : memref<64xf32, #tpu.memory_space<hbm>>) dst(%arg7 : memref<64xf32, #tpu.memory_space<vmem>>)
      tpu.yield
    }) : () -> ()
    %get3A = arith.constant 0 : index
    %get3A_1 = tpu.vector_load %arg7[%get3A] {strides = array<i32>} : memref<64xf32, #tpu.memory_space<vmem>>, vector<16xf32>,
    %get3A_2 = arith.constant 16 : index
    %get3A_3 = tpu.vector_load %arg7[%get3A_2] {strides = array<i32>} : memref<64xf32, #tpu.memory_space<vmem>>, vector<16xf32>,
    %get3A_4 = arith.constant 32 : index
    %get3A_5 = tpu.vector_load %arg7[%get3A_4] {strides = array<i32>} : memref<64xf32, #tpu.memory_space<vmem>>, vector<16xf32>,
    %get3A_6 = arith.constant 48 : index
    %get3A_7 = tpu.vector_load %arg7[%get3A_6] {strides = array<i32>} : memref<64xf32, #tpu.memory_space<vmem>>, vector<16xf32>,
    %broadcast_in_dim3A = arith.constant 0.000000e+00 : f32
    %broadcast_in_dim3A_8 = vector.broadcast %broadcast_in_dim3A : f32 to vector<16xf32>
    %broadcast_in_dim3A_9 = arith.constant 1.000000e+00 : f32
    %broadcast_in_dim3A_10 = vector.broadcast %broadcast_in_dim3A_9 : f32 to vector<16xf32>
    %broadcast_in_dim3A_11 = arith.constant 99 : i32
    %broadcast_in_dim3A_12 = vector.broadcast %broadcast_in_dim3A_11 : i32 to vector<16xi32>
    %iota3A = tpu.iota {dimensions = array<i32: 0>} : vector<16xi32>
    %scan3A = arith.constant 0 : i32
    %scan3A_13 = arith.constant 128 : i32
    %scan3A_14 = arith.addi %scan3A, %scan3A_13 : i32
    %scan3A_15 = arith.constant 1 : i32
    scf.for %scan3A_26 = %scan3A to %scan3A_14 step %scan3A_15  : i32 {
      %mul3A_27 = arith.constant 1 : i32
      %mul3A_28 = arith.muli %scan3A_26, %mul3A_27 : i32
      %add3A_29 = arith.constant 0 : i32
      %add3A_30 = arith.addi %add3A_29, %mul3A_28 : i32
      %swap3A = arith.index_cast %add3A_30 : i32 to index
      %swap3A_31 = arith.constant 0 : index
      %swap3A_32 = tpu.vector_load %arg8[%swap3A, %swap3A_31] {strides = array<i32>} : memref<128x16xf32, #tpu.memory_space<vmem>>, vector<16xf32>,
      tpu.vector_store %arg8[%swap3A, %swap3A_31], %broadcast_in_dim3A_8 {strides = array<i32>} : memref<128x16xf32, #tpu.memory_space<vmem>>, vector<16xf32>,
      %swap3A_33 = arith.index_cast %add3A_30 : i32 to index
      %swap3A_34 = arith.constant 0 : index
      %swap3A_35 = tpu.vector_load %arg9[%swap3A_33, %swap3A_34] {strides = array<i32>} : memref<128x16xf32, #tpu.memory_space<vmem>>, vector<16xf32>,
      tpu.vector_store %arg9[%swap3A_33, %swap3A_34], %broadcast_in_dim3A_8 {strides = array<i32>} : memref<128x16xf32, #tpu.memory_space<vmem>>, vector<16xf32>,
    }
    %scan3A_16 = arith.constant 128 : i32
    %mul3A_17 = arith.constant 1 : i32
    %mul3A_18 = arith.muli %arg1, %mul3A_17 : i32
    %add3A_19 = arith.constant 0 : i32
    %add3A_20 = arith.addi %add3A_19, %mul3A_18 : i32
    %mul3A_21 = arith.constant 16 : i32
    %mul3A_22 = arith.muli %arg0, %mul3A_21 : i32
    %add3A_23 = arith.addi %add3A_20, %mul3A_22 : i32
    %mul3A_24 = arith.constant 1 : i32
    %mul3A_25 = arith.muli %add3A_23, %mul3A_24 : i32
    "tpu.region"() ({
      %run_scoped3A = memref.alloca() : memref<2x1x16384xf32, #tpu.memory_space<vmem>>
      %run_scoped3A_26 = tpu.sem_alloc : memref<2x!tpu.dma_semaphore, #tpu.memory_space<semaphore_mem>>
      %run_scoped3A_27 = memref.alloca() : memref<2x1x16384xf32, #tpu.memory_space<vmem>>
      %run_scoped3A_28 = tpu.sem_alloc : memref<2x!tpu.dma_semaphore, #tpu.memory_space<semaphore_mem>>
      %add3A_29 = arith.constant 0 : i32
      %add3A_30 = arith.addi %add3A_29, %mul3A_25 : i32
      %select_n3A = arith.constant true
      %select_n3A_31 = arith.constant 0 : i32
      %select_n3A_32 = arith.constant -1 : i32
      %select_n3A_33 = arith.select %select_n3A, %select_n3A_32, %select_n3A_31 : i32
      %eq3A = arith.constant -1 : i32
      %eq3A_34 = arith.cmpi eq, %select_n3A_33, %eq3A : i32
      %select_n3A_35 = arith.constant 63 : i32
      %select_n3A_36 = arith.select %eq3A_34, %select_n3A_35, %select_n3A_33 : i32
      %select_n3A_37 = arith.constant 0 : i32
      %select_n3A_38 = arith.constant -1 : i32
      %select_n3A_39 = arith.select %eq3A_34, %select_n3A_38, %select_n3A_37 : i32
      %eq3A_40 = arith.constant -1 : i32
      %eq3A_41 = arith.cmpi eq, %select_n3A_39, %eq3A_40 : i32
      %select_n3A_42 = arith.constant 0 : i32
      %select_n3A_43 = arith.select %eq3A_41, %select_n3A_42, %select_n3A_39 : i32
      %add3A_44 = arith.constant 0 : i32
      %add3A_45 = arith.addi %add3A_44, %mul3A_25 : i32
      %add3A_46 = arith.constant 0 : i32
      %add3A_47 = arith.addi %select_n3A_36, %add3A_46 : i32
      %select_n3A_48 = arith.constant true
      %select_n3A_49 = arith.constant 0 : i32
      %select_n3A_50 = arith.constant 1 : i32
      %select_n3A_51 = arith.select %select_n3A_48, %select_n3A_50, %select_n3A_49 : i32
      %eq3A_52 = arith.constant 64 : i32
      %eq3A_53 = arith.cmpi eq, %select_n3A_51, %eq3A_52 : i32
      %select_n3A_54 = arith.constant 0 : i32
      %select_n3A_55 = arith.select %eq3A_53, %select_n3A_54, %select_n3A_51 : i32
      %select_n3A_56 = arith.constant 0 : i32
      %select_n3A_57 = arith.constant 1 : i32
      %select_n3A_58 = arith.select %eq3A_53, %select_n3A_57, %select_n3A_56 : i32
      %eq3A_59 = arith.constant 1 : i32
      %eq3A_60 = arith.cmpi eq, %select_n3A_58, %eq3A_59 : i32
      %select_n3A_61 = arith.constant 0 : i32
      %select_n3A_62 = arith.select %eq3A_60, %select_n3A_61, %select_n3A_58 : i32
      %add3A_63 = arith.constant 0 : i32
      %add3A_64 = arith.addi %add3A_63, %mul3A_25 : i32
      %add3A_65 = arith.constant 0 : i32
      %add3A_66 = arith.addi %select_n3A_55, %add3A_65 : i32
      %add3A_67 = arith.constant 1 : i32
      %add3A_68 = arith.addi %select_n3A_55, %add3A_67 : i32
      %select_n3A_69 = arith.constant true
      %select_n3A_70 = arith.select %select_n3A_69, %add3A_68, %select_n3A_55 : i32
      %eq3A_71 = arith.constant 64 : i32
      %eq3A_72 = arith.cmpi eq, %select_n3A_70, %eq3A_71 : i32
      %select_n3A_73 = arith.constant 0 : i32
      %select_n3A_74 = arith.select %eq3A_72, %select_n3A_73, %select_n3A_70 : i32
      %select_n3A_75 = arith.constant 0 : i32
      %select_n3A_76 = arith.constant 1 : i32
      %select_n3A_77 = arith.select %eq3A_72, %select_n3A_76, %select_n3A_75 : i32
      %eq3A_78 = arith.constant 1 : i32
      %eq3A_79 = arith.cmpi eq, %select_n3A_77, %eq3A_78 : i32
      %select_n3A_80 = arith.constant 0 : i32
      %select_n3A_81 = arith.select %eq3A_79, %select_n3A_80, %select_n3A_77 : i32
      %add3A_82 = arith.constant 0 : i32
      %add3A_83 = arith.addi %add3A_82, %mul3A_25 : i32
      %add3A_84 = arith.constant 0 : i32
      %add3A_85 = arith.addi %select_n3A_74, %add3A_84 : i32
      "tpu.trace_start"() <{level = 10 : i32, message = "ep_initialize_0"}> : () -> ()
      %rem3A = arith.constant 0 : i32
      %rem3A_86 = arith.constant 2 : i32
      %rem3A_87 = arith.remui %rem3A, %rem3A_86 : i32
      %mul3A_88 = arith.constant 1 : i32
      %mul3A_89 = arith.muli %mul3A_88, %add3A_30 : i32
      %dma_start3A = arith.constant 0 : i32
      %dma_start3A_90 = arith.constant 0 : i32
      %dma_start3A_91 = tpu.memref_slice %run_scoped3A[%rem3A_87, %dma_start3A, %dma_start3A_90] : memref<2x1x16384xf32, #tpu.memory_space<vmem>> -> memref<1x1x16384xf32, #tpu.memory_space<vmem>>
      %dma_start3A_92 = tpu.memref_squeeze %dma_start3A_91 : memref<1x1x16384xf32, #tpu.memory_space<vmem>> -> memref<1x16384xf32, #tpu.memory_space<vmem>>
      %dma_start3A_93 = arith.constant 0 : i32
      %dma_start3A_94 = tpu.memref_slice %arg2[%mul3A_89, %dma_start3A_93] : memref<32x1048576xf32, #tpu.memory_space<hbm>> -> memref<1x16384xf32, #tpu.memory_space<hbm>>
      %dma_start3A_95 = tpu.memref_slice %run_scoped3A_26[%rem3A_87] : memref<2x!tpu.dma_semaphore, #tpu.memory_space<semaphore_mem>> -> memref<1x!tpu.dma_semaphore, #tpu.memory_space<semaphore_mem>>
      %dma_start3A_96 = tpu.memref_squeeze %dma_start3A_95 : memref<1x!tpu.dma_semaphore, #tpu.memory_space<semaphore_mem>> -> memref<!tpu.dma_semaphore, #tpu.memory_space<semaphore_mem>>
      %dma_start3A_97 = arith.constant 0 : i32
      %dma_start3A_98 = arith.constant 0 : i32
      %dma_start3A_99 = tpu.memref_slice %run_scoped3A[%rem3A_87, %dma_start3A_97, %dma_start3A_98] : memref<2x1x16384xf32, #tpu.memory_space<vmem>> -> memref<1x1x16384xf32, #tpu.memory_space<vmem>>
      %dma_start3A_100 = tpu.memref_squeeze %dma_start3A_99 : memref<1x1x16384xf32, #tpu.memory_space<vmem>> -> memref<1x16384xf32, #tpu.memory_space<vmem>>
      %dma_start3A_101 = arith.constant 0 : i32
      %dma_start3A_102 = tpu.memref_slice %arg2[%mul3A_89, %dma_start3A_101] : memref<32x1048576xf32, #tpu.memory_space<hbm>> -> memref<1x16384xf32, #tpu.memory_space<hbm>>
      tpu.enqueue_dma source(%dma_start3A_102 : memref<1x16384xf32, #tpu.memory_space<hbm>>) target(%dma_start3A_100 : memref<1x16384xf32, #tpu.memory_space<vmem>>) target_semaphore(%dma_start3A_96 : memref<!tpu.dma_semaphore, #tpu.memory_space<semaphore_mem>>)
      %add3A_103 = arith.constant 0 : i32
      %add3A_104 = arith.constant 1 : i32
      %add3A_105 = arith.addi %add3A_103, %add3A_104 : i32
      %select_n3A_106 = arith.constant true
      %select_n3A_107 = arith.constant 0 : i32
      %select_n3A_108 = arith.select %select_n3A_106, %add3A_105, %select_n3A_107 : i32
      %rem3A_109 = arith.constant 0 : i32
      %rem3A_110 = arith.constant 2 : i32
      %rem3A_111 = arith.remui %rem3A_109, %rem3A_110 : i32
      %mul3A_112 = arith.constant 1 : i32
      %mul3A_113 = arith.muli %mul3A_112, %add3A_30 : i32
      %dma_start3A_114 = arith.constant 0 : i32
      %dma_start3A_115 = arith.constant 0 : i32
      %dma_start3A_116 = tpu.memref_slice %run_scoped3A_27[%rem3A_111, %dma_start3A_114, %dma_start3A_115] : memref<2x1x16384xf32, #tpu.memory_space<vmem>> -> memref<1x1x16384xf32, #tpu.memory_space<vmem>>
      %dma_start3A_117 = tpu.memref_squeeze %dma_start3A_116 : memref<1x1x16384xf32, #tpu.memory_space<vmem>> -> memref<1x16384xf32, #tpu.memory_space<vmem>>
      %dma_start3A_118 = arith.constant 0 : i32
      %dma_start3A_119 = tpu.memref_slice %arg3[%mul3A_113, %dma_start3A_118] : memref<32x1048576xf32, #tpu.memory_space<hbm>> -> memref<1x16384xf32, #tpu.memory_space<hbm>>
      %dma_start3A_120 = tpu.memref_slice %run_scoped3A_28[%rem3A_111] : memref<2x!tpu.dma_semaphore, #tpu.memory_space<semaphore_mem>> -> memref<1x!tpu.dma_semaphore, #tpu.memory_space<semaphore_mem>>
      %dma_start3A_121 = tpu.memref_squeeze %dma_start3A_120 : memref<1x!tpu.dma_semaphore, #tpu.memory_space<semaphore_mem>> -> memref<!tpu.dma_semaphore, #tpu.memory_space<semaphore_mem>>
      %dma_start3A_122 = arith.constant 0 : i32
      %dma_start3A_123 = arith.constant 0 : i32
      %dma_start3A_124 = tpu.memref_slice %run_scoped3A_27[%rem3A_111, %dma_start3A_122, %dma_start3A_123] : memref<2x1x16384xf32, #tpu.memory_space<vmem>> -> memref<1x1x16384xf32, #tpu.memory_space<vmem>>
      %dma_start3A_125 = tpu.memref_squeeze %dma_start3A_124 : memref<1x1x16384xf32, #tpu.memory_space<vmem>> -> memref<1x16384xf32, #tpu.memory_space<vmem>>
      %dma_start3A_126 = arith.constant 0 : i32
      %dma_start3A_127 = tpu.memref_slice %arg3[%mul3A_113, %dma_start3A_126] : memref<32x1048576xf32, #tpu.memory_space<hbm>> -> memref<1x16384xf32, #tpu.memory_space<hbm>>
      tpu.enqueue_dma source(%dma_start3A_127 : memref<1x16384xf32, #tpu.memory_space<hbm>>) target(%dma_start3A_125 : memref<1x16384xf32, #tpu.memory_space<vmem>>) target_semaphore(%dma_start3A_121 : memref<!tpu.dma_semaphore, #tpu.memory_space<semaphore_mem>>)
      %add3A_128 = arith.constant 0 : i32
      %add3A_129 = arith.constant 1 : i32
      %add3A_130 = arith.addi %add3A_128, %add3A_129 : i32
      %select_n3A_131 = arith.constant true
      %select_n3A_132 = arith.constant 0 : i32
      %select_n3A_133 = arith.select %select_n3A_131, %add3A_130, %select_n3A_132 : i32
      "tpu.trace_stop"() : () -> ()
      %scan3A_134 = arith.constant 0 : i32
      %scan3A_135 = arith.constant 0 : i32
      %scan3A_136 = arith.constant 0 : i32
      %scan3A_137 = arith.constant 0 : i32
      %scan3A_138 = arith.constant 0 : i32
      %scan3A_139 = arith.constant 64 : i32
      %scan3A_140 = arith.addi %scan3A_138, %scan3A_139 : i32
      %scan3A_141 = arith.constant 1 : i32
      %scan3A_142:6 = scf.for %scan3A_219 = %scan3A_138 to %scan3A_140 step %scan3A_141 iter_args(%scan3A_220 = %select_n3A_108, %scan3A_221 = %scan3A_134, %scan3A_222 = %select_n3A_133, %scan3A_223 = %scan3A_135, %scan3A_224 = %scan3A_136, %scan3A_225 = %scan3A_137) -> (i32, i32, i32, i32, i32, i32)  : i32 {
        %eq3A_226 = arith.constant 0 : i32
        %eq3A_227 = arith.cmpi eq, %scan3A_219, %eq3A_226 : i32
        %eq3A_228 = arith.constant 63 : i32
        %eq3A_229 = arith.cmpi eq, %scan3A_219, %eq3A_228 : i32
        %add3A_230 = arith.constant 0 : i32
        %add3A_231 = arith.addi %add3A_230, %mul3A_25 : i32
        %add3A_232 = arith.constant 0 : i32
        %add3A_233 = arith.addi %scan3A_225, %add3A_232 : i32
        %sub3A_234 = arith.constant 1 : i32
        %sub3A_235 = arith.subi %scan3A_225, %sub3A_234 : i32
        %select_n3A_236 = arith.constant true
        %select_n3A_237 = arith.select %select_n3A_236, %sub3A_235, %scan3A_225 : i32
        %eq3A_238 = arith.constant -1 : i32
        %eq3A_239 = arith.cmpi eq, %select_n3A_237, %eq3A_238 : i32
        %select_n3A_240 = arith.constant 63 : i32
        %select_n3A_241 = arith.select %eq3A_239, %select_n3A_240, %select_n3A_237 : i32
        %select_n3A_242 = arith.constant 0 : i32
        %select_n3A_243 = arith.constant -1 : i32
        %select_n3A_244 = arith.select %eq3A_239, %select_n3A_243, %select_n3A_242 : i32
        %eq3A_245 = arith.constant -1 : i32
        %eq3A_246 = arith.cmpi eq, %select_n3A_244, %eq3A_245 : i32
        %select_n3A_247 = arith.constant 0 : i32
        %select_n3A_248 = arith.select %eq3A_246, %select_n3A_247, %select_n3A_244 : i32
        %add3A_249 = arith.constant 0 : i32
        %add3A_250 = arith.addi %add3A_249, %mul3A_25 : i32
        %add3A_251 = arith.constant 0 : i32
        %add3A_252 = arith.addi %select_n3A_241, %add3A_251 : i32
        %add3A_253 = arith.constant 1 : i32
        %add3A_254 = arith.addi %scan3A_225, %add3A_253 : i32
        %select_n3A_255 = arith.constant true
        %select_n3A_256 = arith.select %select_n3A_255, %add3A_254, %scan3A_225 : i32
        %eq3A_257 = arith.constant 64 : i32
        %eq3A_258 = arith.cmpi eq, %select_n3A_256, %eq3A_257 : i32
        %select_n3A_259 = arith.constant 0 : i32
        %select_n3A_260 = arith.select %eq3A_258, %select_n3A_259, %select_n3A_256 : i32
        %select_n3A_261 = arith.constant 0 : i32
        %select_n3A_262 = arith.constant 1 : i32
        %select_n3A_263 = arith.select %eq3A_258, %select_n3A_262, %select_n3A_261 : i32
        %eq3A_264 = arith.constant 1 : i32
        %eq3A_265 = arith.cmpi eq, %select_n3A_263, %eq3A_264 : i32
        %select_n3A_266 = arith.constant 0 : i32
        %select_n3A_267 = arith.select %eq3A_265, %select_n3A_266, %select_n3A_263 : i32
        %add3A_268 = arith.constant 0 : i32
        %add3A_269 = arith.addi %add3A_268, %mul3A_25 : i32
        %add3A_270 = arith.constant 0 : i32
        %add3A_271 = arith.addi %select_n3A_260, %add3A_270 : i32
        %add3A_272 = arith.constant 1 : i32
        %add3A_273 = arith.addi %select_n3A_260, %add3A_272 : i32
        %select_n3A_274 = arith.constant true
        %select_n3A_275 = arith.select %select_n3A_274, %add3A_273, %select_n3A_260 : i32
        %eq3A_276 = arith.constant 64 : i32
        %eq3A_277 = arith.cmpi eq, %select_n3A_275, %eq3A_276 : i32
        %select_n3A_278 = arith.constant 0 : i32
        %select_n3A_279 = arith.select %eq3A_277, %select_n3A_278, %select_n3A_275 : i32
        %select_n3A_280 = arith.constant 0 : i32
        %select_n3A_281 = arith.constant 1 : i32
        %select_n3A_282 = arith.select %eq3A_277, %select_n3A_281, %select_n3A_280 : i32
        %eq3A_283 = arith.constant 1 : i32
        %eq3A_284 = arith.cmpi eq, %select_n3A_282, %eq3A_283 : i32
        %select_n3A_285 = arith.constant 0 : i32
        %select_n3A_286 = arith.select %eq3A_284, %select_n3A_285, %select_n3A_282 : i32
        %add3A_287 = arith.constant 0 : i32
        %add3A_288 = arith.addi %add3A_287, %mul3A_25 : i32
        %add3A_289 = arith.constant 0 : i32
        %add3A_290 = arith.addi %select_n3A_279, %add3A_289 : i32
        %ne3A = arith.cmpi ne, %add3A_231, %add3A_269 : i32
        %ne3A_291 = arith.cmpi ne, %add3A_233, %add3A_271 : i32
        %or3A = arith.constant false
        %or3A_292 = arith.ori %or3A, %ne3A : i1
        %or3A_293 = arith.ori %or3A_292, %ne3A_291 : i1
        %ge3A = arith.constant 63 : i32
        %ge3A_294 = arith.cmpi sge, %scan3A_219, %ge3A : i32
        %not3A = arith.constant true
        %not3A_295 = arith.xori %ge3A_294, %not3A : i1
        %and3A = arith.andi %or3A_293, %not3A_295 : i1
        %convert_element_type3A = arith.extui %and3A : i1 to i32
        %cond3A = arith.constant 0 : i32
        %cond3A_296 = arith.cmpi ne, %convert_element_type3A, %cond3A : i32
        scf.if %cond3A_296 {
          "tpu.trace_start"() <{level = 10 : i32, message = "ep_copy_in"}> : () -> ()
          %rem3A_428 = arith.constant 2 : i32
          %rem3A_429 = arith.remui %scan3A_220, %rem3A_428 : i32
          %mul3A_430 = arith.constant 1 : i32
          %mul3A_431 = arith.muli %mul3A_430, %add3A_269 : i32
          %mul3A_432 = arith.constant 16384 : i32
          %mul3A_433 = arith.muli %mul3A_432, %add3A_271 : i32
          %dma_start3A_434 = arith.constant 0 : i32
          %dma_start3A_435 = arith.constant 0 : i32
          %dma_start3A_436 = tpu.memref_slice %run_scoped3A[%rem3A_429, %dma_start3A_434, %dma_start3A_435] : memref<2x1x16384xf32, #tpu.memory_space<vmem>> -> memref<1x1x16384xf32, #tpu.memory_space<vmem>>
          %dma_start3A_437 = tpu.memref_squeeze %dma_start3A_436 : memref<1x1x16384xf32, #tpu.memory_space<vmem>> -> memref<1x16384xf32, #tpu.memory_space<vmem>>
          %dma_start3A_438 = tpu.memref_slice %arg2[%mul3A_431, %mul3A_433] : memref<32x1048576xf32, #tpu.memory_space<hbm>> -> memref<1x16384xf32, #tpu.memory_space<hbm>>
          %dma_start3A_439 = tpu.memref_slice %run_scoped3A_26[%rem3A_429] : memref<2x!tpu.dma_semaphore, #tpu.memory_space<semaphore_mem>> -> memref<1x!tpu.dma_semaphore, #tpu.memory_space<semaphore_mem>>
          %dma_start3A_440 = tpu.memref_squeeze %dma_start3A_439 : memref<1x!tpu.dma_semaphore, #tpu.memory_space<semaphore_mem>> -> memref<!tpu.dma_semaphore, #tpu.memory_space<semaphore_mem>>
          %dma_start3A_441 = arith.constant 0 : i32
          %dma_start3A_442 = arith.constant 0 : i32
          %dma_start3A_443 = tpu.memref_slice %run_scoped3A[%rem3A_429, %dma_start3A_441, %dma_start3A_442] : memref<2x1x16384xf32, #tpu.memory_space<vmem>> -> memref<1x1x16384xf32, #tpu.memory_space<vmem>>
          %dma_start3A_444 = tpu.memref_squeeze %dma_start3A_443 : memref<1x1x16384xf32, #tpu.memory_space<vmem>> -> memref<1x16384xf32, #tpu.memory_space<vmem>>
          %dma_start3A_445 = tpu.memref_slice %arg2[%mul3A_431, %mul3A_433] : memref<32x1048576xf32, #tpu.memory_space<hbm>> -> memref<1x16384xf32, #tpu.memory_space<hbm>>
          tpu.enqueue_dma source(%dma_start3A_445 : memref<1x16384xf32, #tpu.memory_space<hbm>>) target(%dma_start3A_444 : memref<1x16384xf32, #tpu.memory_space<vmem>>) target_semaphore(%dma_start3A_440 : memref<!tpu.dma_semaphore, #tpu.memory_space<semaphore_mem>>)
          "tpu.trace_stop"() : () -> ()
        } else {
        }
        %and3A_297 = arith.constant true
        %and3A_298 = arith.andi %and3A, %and3A_297 : i1
        %add3A_299 = arith.constant 1 : i32
        %add3A_300 = arith.addi %scan3A_220, %add3A_299 : i32
        %select_n3A_301 = arith.select %and3A_298, %add3A_300, %scan3A_220 : i32
        %ne3A_302 = arith.cmpi ne, %add3A_231, %add3A_269 : i32
        %ne3A_303 = arith.cmpi ne, %add3A_233, %add3A_271 : i32
        %or3A_304 = arith.constant false
        %or3A_305 = arith.ori %or3A_304, %ne3A_302 : i1
        %or3A_306 = arith.ori %or3A_305, %ne3A_303 : i1
        %ge3A_307 = arith.constant 63 : i32
        %ge3A_308 = arith.cmpi sge, %scan3A_219, %ge3A_307 : i32
        %not3A_309 = arith.constant true
        %not3A_310 = arith.xori %ge3A_308, %not3A_309 : i1
        %and3A_311 = arith.andi %or3A_306, %not3A_310 : i1
        %convert_element_type3A_312 = arith.extui %and3A_311 : i1 to i32
        %cond3A_313 = arith.constant 0 : i32
        %cond3A_314 = arith.cmpi ne, %convert_element_type3A_312, %cond3A_313 : i32
        scf.if %cond3A_314 {
          "tpu.trace_start"() <{level = 10 : i32, message = "ep_copy_in"}> : () -> ()
          %rem3A_428 = arith.constant 2 : i32
          %rem3A_429 = arith.remui %scan3A_222, %rem3A_428 : i32
          %mul3A_430 = arith.constant 1 : i32
          %mul3A_431 = arith.muli %mul3A_430, %add3A_269 : i32
          %mul3A_432 = arith.constant 16384 : i32
          %mul3A_433 = arith.muli %mul3A_432, %add3A_271 : i32
          %dma_start3A_434 = arith.constant 0 : i32
          %dma_start3A_435 = arith.constant 0 : i32
          %dma_start3A_436 = tpu.memref_slice %run_scoped3A_27[%rem3A_429, %dma_start3A_434, %dma_start3A_435] : memref<2x1x16384xf32, #tpu.memory_space<vmem>> -> memref<1x1x16384xf32, #tpu.memory_space<vmem>>
          %dma_start3A_437 = tpu.memref_squeeze %dma_start3A_436 : memref<1x1x16384xf32, #tpu.memory_space<vmem>> -> memref<1x16384xf32, #tpu.memory_space<vmem>>
          %dma_start3A_438 = tpu.memref_slice %arg3[%mul3A_431, %mul3A_433] : memref<32x1048576xf32, #tpu.memory_space<hbm>> -> memref<1x16384xf32, #tpu.memory_space<hbm>>
          %dma_start3A_439 = tpu.memref_slice %run_scoped3A_28[%rem3A_429] : memref<2x!tpu.dma_semaphore, #tpu.memory_space<semaphore_mem>> -> memref<1x!tpu.dma_semaphore, #tpu.memory_space<semaphore_mem>>
          %dma_start3A_440 = tpu.memref_squeeze %dma_start3A_439 : memref<1x!tpu.dma_semaphore, #tpu.memory_space<semaphore_mem>> -> memref<!tpu.dma_semaphore, #tpu.memory_space<semaphore_mem>>
          %dma_start3A_441 = arith.constant 0 : i32
          %dma_start3A_442 = arith.constant 0 : i32
          %dma_start3A_443 = tpu.memref_slice %run_scoped3A_27[%rem3A_429, %dma_start3A_441, %dma_start3A_442] : memref<2x1x16384xf32, #tpu.memory_space<vmem>> -> memref<1x1x16384xf32, #tpu.memory_space<vmem>>
          %dma_start3A_444 = tpu.memref_squeeze %dma_start3A_443 : memref<1x1x16384xf32, #tpu.memory_space<vmem>> -> memref<1x16384xf32, #tpu.memory_space<vmem>>
          %dma_start3A_445 = tpu.memref_slice %arg3[%mul3A_431, %mul3A_433] : memref<32x1048576xf32, #tpu.memory_space<hbm>> -> memref<1x16384xf32, #tpu.memory_space<hbm>>
          tpu.enqueue_dma source(%dma_start3A_445 : memref<1x16384xf32, #tpu.memory_space<hbm>>) target(%dma_start3A_444 : memref<1x16384xf32, #tpu.memory_space<vmem>>) target_semaphore(%dma_start3A_440 : memref<!tpu.dma_semaphore, #tpu.memory_space<semaphore_mem>>)
          "tpu.trace_stop"() : () -> ()
        } else {
        }
        %and3A_315 = arith.constant true
        %and3A_316 = arith.andi %and3A_311, %and3A_315 : i1
        %add3A_317 = arith.constant 1 : i32
        %add3A_318 = arith.addi %scan3A_222, %add3A_317 : i32
        %select_n3A_319 = arith.select %and3A_316, %add3A_318, %scan3A_222 : i32
        %ne3A_320 = arith.cmpi ne, %add3A_231, %add3A_250 : i32
        %ne3A_321 = arith.cmpi ne, %add3A_233, %add3A_252 : i32
        %or3A_322 = arith.constant false
        %or3A_323 = arith.ori %or3A_322, %ne3A_320 : i1
        %or3A_324 = arith.ori %or3A_323, %ne3A_321 : i1
        %or3A_325 = arith.ori %or3A_324, %eq3A_227 : i1
        %convert_element_type3A_326 = arith.extui %or3A_325 : i1 to i32
        %cond3A_327 = arith.constant 0 : i32
        %cond3A_328 = arith.cmpi ne, %convert_element_type3A_326, %cond3A_327 : i32
        scf.if %cond3A_328 {
          "tpu.trace_start"() <{level = 10 : i32, message = "ep_wait_in"}> : () -> ()
          %mul3A_428 = arith.constant 1 : i32
          %mul3A_429 = arith.muli %mul3A_428, %add3A_231 : i32
          %mul3A_430 = arith.constant 16384 : i32
          %mul3A_431 = arith.muli %mul3A_430, %add3A_233 : i32
          %rem3A_432 = arith.constant 2 : i32
          %rem3A_433 = arith.remui %scan3A_221, %rem3A_432 : i32
          %dma_wait3A = arith.constant 0 : i32
          %dma_wait3A_434 = arith.constant 0 : i32
          %dma_wait3A_435 = tpu.memref_slice %run_scoped3A[%rem3A_433, %dma_wait3A, %dma_wait3A_434] : memref<2x1x16384xf32, #tpu.memory_space<vmem>> -> memref<1x1x16384xf32, #tpu.memory_space<vmem>>
          %dma_wait3A_436 = tpu.memref_squeeze %dma_wait3A_435 : memref<1x1x16384xf32, #tpu.memory_space<vmem>> -> memref<1x16384xf32, #tpu.memory_space<vmem>>
          %dma_wait3A_437 = tpu.memref_slice %arg2[%mul3A_429, %mul3A_431] : memref<32x1048576xf32, #tpu.memory_space<hbm>> -> memref<1x16384xf32, #tpu.memory_space<hbm>>
          %dma_wait3A_438 = tpu.memref_slice %run_scoped3A_26[%rem3A_433] : memref<2x!tpu.dma_semaphore, #tpu.memory_space<semaphore_mem>> -> memref<1x!tpu.dma_semaphore, #tpu.memory_space<semaphore_mem>>
          %dma_wait3A_439 = tpu.memref_squeeze %dma_wait3A_438 : memref<1x!tpu.dma_semaphore, #tpu.memory_space<semaphore_mem>> -> memref<!tpu.dma_semaphore, #tpu.memory_space<semaphore_mem>>
          %dma_wait3A_440 = arith.constant 0 : i32
          %dma_wait3A_441 = arith.constant 0 : i32
          %dma_wait3A_442 = tpu.memref_slice %run_scoped3A[%rem3A_433, %dma_wait3A_440, %dma_wait3A_441] : memref<2x1x16384xf32, #tpu.memory_space<vmem>> -> memref<1x1x16384xf32, #tpu.memory_space<vmem>>
          %dma_wait3A_443 = tpu.memref_squeeze %dma_wait3A_442 : memref<1x1x16384xf32, #tpu.memory_space<vmem>> -> memref<1x16384xf32, #tpu.memory_space<vmem>>
          %dma_wait3A_444 = tpu.memref_slice %arg2[%mul3A_429, %mul3A_431] : memref<32x1048576xf32, #tpu.memory_space<hbm>> -> memref<1x16384xf32, #tpu.memory_space<hbm>>
          tpu.wait_dma2 semaphore(%dma_wait3A_439 : memref<!tpu.dma_semaphore, #tpu.memory_space<semaphore_mem>>) src(%dma_wait3A_444 : memref<1x16384xf32, #tpu.memory_space<hbm>>) dst(%dma_wait3A_443 : memref<1x16384xf32, #tpu.memory_space<vmem>>)
          "tpu.trace_stop"() : () -> ()
        } else {
        }
        %ne3A_329 = arith.cmpi ne, %add3A_231, %add3A_250 : i32
        %ne3A_330 = arith.cmpi ne, %add3A_233, %add3A_252 : i32
        %or3A_331 = arith.constant false
        %or3A_332 = arith.ori %or3A_331, %ne3A_329 : i1
        %or3A_333 = arith.ori %or3A_332, %ne3A_330 : i1
        %or3A_334 = arith.ori %or3A_333, %eq3A_227 : i1
        %convert_element_type3A_335 = arith.extui %or3A_334 : i1 to i32
        %cond3A_336 = arith.constant 0 : i32
        %cond3A_337 = arith.cmpi ne, %convert_element_type3A_335, %cond3A_336 : i32
        scf.if %cond3A_337 {
          "tpu.trace_start"() <{level = 10 : i32, message = "ep_wait_in"}> : () -> ()
          %mul3A_428 = arith.constant 1 : i32
          %mul3A_429 = arith.muli %mul3A_428, %add3A_231 : i32
          %mul3A_430 = arith.constant 16384 : i32
          %mul3A_431 = arith.muli %mul3A_430, %add3A_233 : i32
          %rem3A_432 = arith.constant 2 : i32
          %rem3A_433 = arith.remui %scan3A_223, %rem3A_432 : i32
          %dma_wait3A = arith.constant 0 : i32
          %dma_wait3A_434 = arith.constant 0 : i32
          %dma_wait3A_435 = tpu.memref_slice %run_scoped3A_27[%rem3A_433, %dma_wait3A, %dma_wait3A_434] : memref<2x1x16384xf32, #tpu.memory_space<vmem>> -> memref<1x1x16384xf32, #tpu.memory_space<vmem>>
          %dma_wait3A_436 = tpu.memref_squeeze %dma_wait3A_435 : memref<1x1x16384xf32, #tpu.memory_space<vmem>> -> memref<1x16384xf32, #tpu.memory_space<vmem>>
          %dma_wait3A_437 = tpu.memref_slice %arg3[%mul3A_429, %mul3A_431] : memref<32x1048576xf32, #tpu.memory_space<hbm>> -> memref<1x16384xf32, #tpu.memory_space<hbm>>
          %dma_wait3A_438 = tpu.memref_slice %run_scoped3A_28[%rem3A_433] : memref<2x!tpu.dma_semaphore, #tpu.memory_space<semaphore_mem>> -> memref<1x!tpu.dma_semaphore, #tpu.memory_space<semaphore_mem>>
          %dma_wait3A_439 = tpu.memref_squeeze %dma_wait3A_438 : memref<1x!tpu.dma_semaphore, #tpu.memory_space<semaphore_mem>> -> memref<!tpu.dma_semaphore, #tpu.memory_space<semaphore_mem>>
          %dma_wait3A_440 = arith.constant 0 : i32
          %dma_wait3A_441 = arith.constant 0 : i32
          %dma_wait3A_442 = tpu.memref_slice %run_scoped3A_27[%rem3A_433, %dma_wait3A_440, %dma_wait3A_441] : memref<2x1x16384xf32, #tpu.memory_space<vmem>> -> memref<1x1x16384xf32, #tpu.memory_space<vmem>>
          %dma_wait3A_443 = tpu.memref_squeeze %dma_wait3A_442 : memref<1x1x16384xf32, #tpu.memory_space<vmem>> -> memref<1x16384xf32, #tpu.memory_space<vmem>>
          %dma_wait3A_444 = tpu.memref_slice %arg3[%mul3A_429, %mul3A_431] : memref<32x1048576xf32, #tpu.memory_space<hbm>> -> memref<1x16384xf32, #tpu.memory_space<hbm>>
          tpu.wait_dma2 semaphore(%dma_wait3A_439 : memref<!tpu.dma_semaphore, #tpu.memory_space<semaphore_mem>>) src(%dma_wait3A_444 : memref<1x16384xf32, #tpu.memory_space<hbm>>) dst(%dma_wait3A_443 : memref<1x16384xf32, #tpu.memory_space<vmem>>)
          "tpu.trace_stop"() : () -> ()
        } else {
        }
        %rem3A_338 = arith.constant 2 : i32
        %rem3A_339 = arith.remui %scan3A_221, %rem3A_338 : i32
        %rem3A_340 = arith.constant 2 : i32
        %rem3A_341 = arith.remui %scan3A_223, %rem3A_340 : i32
        %parallel_loop3A = arith.constant 0 : i32
        %parallel_loop3A_342 = arith.constant 16384 : i32
        %parallel_loop3A_343 = arith.constant 16 : i32
        %parallel_loop3A_344 = arith.constant 0 : i32
        %parallel_loop3A_345 = arith.constant 0 : i32
        "tpu.trace_start"() <{level = 10 : i32, message = "ep_run_kernel"}> : () -> ()
        scf.for %parallel_loop3A_428 = %parallel_loop3A to %parallel_loop3A_342 step %parallel_loop3A_343  : i32 {
          %parallel_loop3A_429 = arith.constant 0 : i32
          %parallel_loop3A_430 = arith.constant 0 : i32
          %parallel_loop3A_431 = tpu.memref_slice %run_scoped3A[%rem3A_339, %parallel_loop3A_429, %parallel_loop3A_430] : memref<2x1x16384xf32, #tpu.memory_space<vmem>> -> memref<1x1x16384xf32, #tpu.memory_space<vmem>>
          %parallel_loop3A_432 = tpu.memref_squeeze %parallel_loop3A_431 : memref<1x1x16384xf32, #tpu.memory_space<vmem>> -> memref<1x16384xf32, #tpu.memory_space<vmem>>
          %parallel_loop3A_433 = arith.constant 0 : i32
          %parallel_loop3A_434 = tpu.memref_slice %parallel_loop3A_432[%parallel_loop3A_344, %parallel_loop3A_433] : memref<1x16384xf32, #tpu.memory_space<vmem>> -> memref<1x16384xf32, #tpu.memory_space<vmem>>
          %parallel_loop3A_435 = tpu.memref_squeeze %parallel_loop3A_434 : memref<1x16384xf32, #tpu.memory_space<vmem>> -> memref<16384xf32, #tpu.memory_space<vmem>>
          %parallel_loop3A_436 = arith.index_cast %parallel_loop3A_428 : i32 to index
          %parallel_loop3A_437 = tpu.vector_load %parallel_loop3A_435[%parallel_loop3A_436] {strides = array<i32>} : memref<16384xf32, #tpu.memory_space<vmem>>, vector<16xf32>,
          %parallel_loop3A_438 = arith.mulf %parallel_loop3A_437, %get3A_3 : vector<16xf32>
          %parallel_loop3A_439 = arith.subf %parallel_loop3A_438, %get3A_1 : vector<16xf32>
          %parallel_loop3A_440 = arith.fptosi %parallel_loop3A_439 : vector<16xf32> to vector<16xi32>
          %parallel_loop3A_441 = arith.minsi %parallel_loop3A_440, %broadcast_in_dim3A_12 : vector<16xi32>
          tpu.vector_store_idx %arg8[%parallel_loop3A_441, %iota3A], %broadcast_in_dim3A_10 {add = true} : memref<128x16xf32, #tpu.memory_space<vmem>>[vector<16xi32>, vector<16xi32>], vector<16xf32>,
          %parallel_loop3A_442 = arith.constant 0 : i32
          %parallel_loop3A_443 = arith.constant 0 : i32
          %parallel_loop3A_444 = tpu.memref_slice %run_scoped3A_27[%rem3A_341, %parallel_loop3A_442, %parallel_loop3A_443] : memref<2x1x16384xf32, #tpu.memory_space<vmem>> -> memref<1x1x16384xf32, #tpu.memory_space<vmem>>
          %parallel_loop3A_445 = tpu.memref_squeeze %parallel_loop3A_444 : memref<1x1x16384xf32, #tpu.memory_space<vmem>> -> memref<1x16384xf32, #tpu.memory_space<vmem>>
          %parallel_loop3A_446 = arith.constant 0 : i32
          %parallel_loop3A_447 = tpu.memref_slice %parallel_loop3A_445[%parallel_loop3A_345, %parallel_loop3A_446] : memref<1x16384xf32, #tpu.memory_space<vmem>> -> memref<1x16384xf32, #tpu.memory_space<vmem>>
          %parallel_loop3A_448 = tpu.memref_squeeze %parallel_loop3A_447 : memref<1x16384xf32, #tpu.memory_space<vmem>> -> memref<16384xf32, #tpu.memory_space<vmem>>
          %parallel_loop3A_449 = arith.index_cast %parallel_loop3A_428 : i32 to index
          %parallel_loop3A_450 = tpu.vector_load %parallel_loop3A_448[%parallel_loop3A_449] {strides = array<i32>} : memref<16384xf32, #tpu.memory_space<vmem>>, vector<16xf32>,
          %parallel_loop3A_451 = arith.mulf %parallel_loop3A_450, %get3A_7 : vector<16xf32>
          %parallel_loop3A_452 = arith.subf %parallel_loop3A_451, %get3A_5 : vector<16xf32>
          %parallel_loop3A_453 = arith.fptosi %parallel_loop3A_452 : vector<16xf32> to vector<16xi32>
          %parallel_loop3A_454 = arith.minsi %parallel_loop3A_453, %broadcast_in_dim3A_12 : vector<16xi32>
          tpu.vector_store_idx %arg9[%parallel_loop3A_454, %iota3A], %broadcast_in_dim3A_10 {add = true} : memref<128x16xf32, #tpu.memory_space<vmem>>[vector<16xi32>, vector<16xi32>], vector<16xf32>,
        } {sc.loop_unroll_factor = 16 : i64, sc.parallel_access}
        "tpu.trace_stop"() : () -> ()
        %ne3A_346 = arith.cmpi ne, %add3A_231, %add3A_269 : i32
        %ne3A_347 = arith.cmpi ne, %add3A_233, %add3A_271 : i32
        %or3A_348 = arith.constant false
        %or3A_349 = arith.ori %or3A_348, %ne3A_346 : i1
        %or3A_350 = arith.ori %or3A_349, %ne3A_347 : i1
        %or3A_351 = arith.ori %or3A_350, %eq3A_229 : i1
        %convert_element_type3A_352 = arith.extui %or3A_351 : i1 to i32
        %cond3A_353 = arith.constant 0 : i32
        %cond3A_354 = arith.cmpi ne, %convert_element_type3A_352, %cond3A_353 : i32
        scf.if %cond3A_354 {
        } else {
        }
        %and3A_355 = arith.constant false
        %and3A_356 = arith.andi %or3A_351, %and3A_355 : i1
        %ne3A_357 = arith.cmpi ne, %add3A_231, %add3A_269 : i32
        %ne3A_358 = arith.cmpi ne, %add3A_233, %add3A_271 : i32
        %or3A_359 = arith.constant false
        %or3A_360 = arith.ori %or3A_359, %ne3A_357 : i1
        %or3A_361 = arith.ori %or3A_360, %ne3A_358 : i1
        %or3A_362 = arith.ori %or3A_361, %eq3A_229 : i1
        %convert_element_type3A_363 = arith.extui %or3A_362 : i1 to i32
        %cond3A_364 = arith.constant 0 : i32
        %cond3A_365 = arith.cmpi ne, %convert_element_type3A_363, %cond3A_364 : i32
        scf.if %cond3A_365 {
        } else {
        }
        %and3A_366 = arith.constant false
        %and3A_367 = arith.andi %or3A_362, %and3A_366 : i1
        %ne3A_368 = arith.cmpi ne, %add3A_231, %add3A_250 : i32
        %ne3A_369 = arith.cmpi ne, %add3A_233, %add3A_252 : i32
        %or3A_370 = arith.constant false
        %or3A_371 = arith.ori %or3A_370, %ne3A_368 : i1
        %or3A_372 = arith.ori %or3A_371, %ne3A_369 : i1
        %not3A_373 = arith.constant true
        %not3A_374 = arith.xori %eq3A_227, %not3A_373 : i1
        %and3A_375 = arith.andi %or3A_372, %not3A_374 : i1
        %convert_element_type3A_376 = arith.extui %and3A_375 : i1 to i32
        %cond3A_377 = arith.constant 0 : i32
        %cond3A_378 = arith.cmpi ne, %convert_element_type3A_376, %cond3A_377 : i32
        scf.if %cond3A_378 {
        } else {
        }
        %and3A_379 = arith.constant false
        %and3A_380 = arith.andi %and3A_375, %and3A_379 : i1
        %ne3A_381 = arith.cmpi ne, %add3A_231, %add3A_250 : i32
        %ne3A_382 = arith.cmpi ne, %add3A_233, %add3A_252 : i32
        %or3A_383 = arith.constant false
        %or3A_384 = arith.ori %or3A_383, %ne3A_381 : i1
        %or3A_385 = arith.ori %or3A_384, %ne3A_382 : i1
        %not3A_386 = arith.constant true
        %not3A_387 = arith.xori %eq3A_227, %not3A_386 : i1
        %and3A_388 = arith.andi %or3A_385, %not3A_387 : i1
        %convert_element_type3A_389 = arith.extui %and3A_388 : i1 to i32
        %cond3A_390 = arith.constant 0 : i32
        %cond3A_391 = arith.cmpi ne, %convert_element_type3A_389, %cond3A_390 : i32
        scf.if %cond3A_391 {
        } else {
        }
        %and3A_392 = arith.constant false
        %and3A_393 = arith.andi %and3A_388, %and3A_392 : i1
        %ne3A_394 = arith.cmpi ne, %add3A_231, %add3A_269 : i32
        %ne3A_395 = arith.cmpi ne, %add3A_233, %add3A_271 : i32
        %or3A_396 = arith.constant false
        %or3A_397 = arith.ori %or3A_396, %ne3A_394 : i1
        %or3A_398 = arith.ori %or3A_397, %ne3A_395 : i1
        %or3A_399 = arith.ori %or3A_398, %eq3A_229 : i1
        %add3A_400 = arith.constant 1 : i32
        %add3A_401 = arith.addi %scan3A_221, %add3A_400 : i32
        %select_n3A_402 = arith.select %or3A_399, %add3A_401, %scan3A_221 : i32
        %ne3A_403 = arith.cmpi ne, %add3A_231, %add3A_269 : i32
        %ne3A_404 = arith.cmpi ne, %add3A_233, %add3A_271 : i32
        %or3A_405 = arith.constant false
        %or3A_406 = arith.ori %or3A_405, %ne3A_403 : i1
        %or3A_407 = arith.ori %or3A_406, %ne3A_404 : i1
        %or3A_408 = arith.ori %or3A_407, %eq3A_229 : i1
        %add3A_409 = arith.constant 1 : i32
        %add3A_410 = arith.addi %scan3A_223, %add3A_409 : i32
        %select_n3A_411 = arith.select %or3A_408, %add3A_410, %scan3A_223 : i32
        %add3A_412 = arith.constant 1 : i32
        %add3A_413 = arith.addi %scan3A_225, %add3A_412 : i32
        %select_n3A_414 = arith.constant true
        %select_n3A_415 = arith.select %select_n3A_414, %add3A_413, %scan3A_225 : i32
        %eq3A_416 = arith.constant 64 : i32
        %eq3A_417 = arith.cmpi eq, %select_n3A_415, %eq3A_416 : i32
        %select_n3A_418 = arith.constant 0 : i32
        %select_n3A_419 = arith.select %eq3A_417, %select_n3A_418, %select_n3A_415 : i32
        %select_n3A_420 = arith.constant 0 : i32
        %select_n3A_421 = arith.constant 1 : i32
        %select_n3A_422 = arith.select %eq3A_417, %select_n3A_421, %select_n3A_420 : i32
        %eq3A_423 = arith.constant 1 : i32
        %eq3A_424 = arith.cmpi eq, %select_n3A_422, %eq3A_423 : i32
        %select_n3A_425 = arith.constant 0 : i32
        %select_n3A_426 = arith.select %eq3A_424, %select_n3A_425, %select_n3A_422 : i32
        %scan3A_427 = arith.constant 0 : i32
        scf.yield %select_n3A_301, %select_n3A_402, %select_n3A_319, %select_n3A_411, %scan3A_427, %select_n3A_419 : i32, i32, i32, i32, i32, i32
      }
      %scan3A_143 = arith.constant 64 : i32
      %sub3A = arith.constant 1 : i32
      %sub3A_144 = arith.subi %scan3A_142#5, %sub3A : i32
      %select_n3A_145 = arith.constant true
      %select_n3A_146 = arith.select %select_n3A_145, %sub3A_144, %scan3A_142#5 : i32
      %eq3A_147 = arith.constant -1 : i32
      %eq3A_148 = arith.cmpi eq, %select_n3A_146, %eq3A_147 : i32
      %select_n3A_149 = arith.constant 63 : i32
      %select_n3A_150 = arith.select %eq3A_148, %select_n3A_149, %select_n3A_146 : i32
      %sub3A_151 = arith.constant 1 : i32
      %sub3A_152 = arith.subi %scan3A_142#4, %sub3A_151 : i32
      %select_n3A_153 = arith.select %eq3A_148, %sub3A_152, %scan3A_142#4 : i32
      %eq3A_154 = arith.constant -1 : i32
      %eq3A_155 = arith.cmpi eq, %select_n3A_153, %eq3A_154 : i32
      %select_n3A_156 = arith.constant 0 : i32
      %select_n3A_157 = arith.select %eq3A_155, %select_n3A_156, %select_n3A_153 : i32
      %add3A_158 = arith.constant 0 : i32
      %add3A_159 = arith.addi %add3A_158, %mul3A_25 : i32
      %add3A_160 = arith.constant 0 : i32
      %add3A_161 = arith.addi %select_n3A_150, %add3A_160 : i32
      %sub3A_162 = arith.constant 1 : i32
      %sub3A_163 = arith.subi %select_n3A_150, %sub3A_162 : i32
      %select_n3A_164 = arith.constant true
      %select_n3A_165 = arith.select %select_n3A_164, %sub3A_163, %select_n3A_150 : i32
      %eq3A_166 = arith.constant -1 : i32
      %eq3A_167 = arith.cmpi eq, %select_n3A_165, %eq3A_166 : i32
      %select_n3A_168 = arith.constant 63 : i32
      %select_n3A_169 = arith.select %eq3A_167, %select_n3A_168, %select_n3A_165 : i32
      %select_n3A_170 = arith.constant 0 : i32
      %select_n3A_171 = arith.constant -1 : i32
      %select_n3A_172 = arith.select %eq3A_167, %select_n3A_171, %select_n3A_170 : i32
      %eq3A_173 = arith.constant -1 : i32
      %eq3A_174 = arith.cmpi eq, %select_n3A_172, %eq3A_173 : i32
      %select_n3A_175 = arith.constant 0 : i32
      %select_n3A_176 = arith.select %eq3A_174, %select_n3A_175, %select_n3A_172 : i32
      %add3A_177 = arith.constant 0 : i32
      %add3A_178 = arith.addi %add3A_177, %mul3A_25 : i32
      %add3A_179 = arith.constant 0 : i32
      %add3A_180 = arith.addi %select_n3A_169, %add3A_179 : i32
      %add3A_181 = arith.constant 1 : i32
      %add3A_182 = arith.addi %select_n3A_150, %add3A_181 : i32
      %select_n3A_183 = arith.constant true
      %select_n3A_184 = arith.select %select_n3A_183, %add3A_182, %select_n3A_150 : i32
      %eq3A_185 = arith.constant 64 : i32
      %eq3A_186 = arith.cmpi eq, %select_n3A_184, %eq3A_185 : i32
      %select_n3A_187 = arith.constant 0 : i32
      %select_n3A_188 = arith.select %eq3A_186, %select_n3A_187, %select_n3A_184 : i32
      %select_n3A_189 = arith.constant 0 : i32
      %select_n3A_190 = arith.constant 1 : i32
      %select_n3A_191 = arith.select %eq3A_186, %select_n3A_190, %select_n3A_189 : i32
      %eq3A_192 = arith.constant 1 : i32
      %eq3A_193 = arith.cmpi eq, %select_n3A_191, %eq3A_192 : i32
      %select_n3A_194 = arith.constant 0 : i32
      %select_n3A_195 = arith.select %eq3A_193, %select_n3A_194, %select_n3A_191 : i32
      %add3A_196 = arith.constant 0 : i32
      %add3A_197 = arith.addi %add3A_196, %mul3A_25 : i32
      %add3A_198 = arith.constant 0 : i32
      %add3A_199 = arith.addi %select_n3A_188, %add3A_198 : i32
      %add3A_200 = arith.constant 1 : i32
      %add3A_201 = arith.addi %select_n3A_188, %add3A_200 : i32
      %select_n3A_202 = arith.constant true
      %select_n3A_203 = arith.select %select_n3A_202, %add3A_201, %select_n3A_188 : i32
      %eq3A_204 = arith.constant 64 : i32
      %eq3A_205 = arith.cmpi eq, %select_n3A_203, %eq3A_204 : i32
      %select_n3A_206 = arith.constant 0 : i32
      %select_n3A_207 = arith.select %eq3A_205, %select_n3A_206, %select_n3A_203 : i32
      %select_n3A_208 = arith.constant 0 : i32
      %select_n3A_209 = arith.constant 1 : i32
      %select_n3A_210 = arith.select %eq3A_205, %select_n3A_209, %select_n3A_208 : i32
      %eq3A_211 = arith.constant 1 : i32
      %eq3A_212 = arith.cmpi eq, %select_n3A_210, %eq3A_211 : i32
      %select_n3A_213 = arith.constant 0 : i32
      %select_n3A_214 = arith.select %eq3A_212, %select_n3A_213, %select_n3A_210 : i32
      %add3A_215 = arith.constant 0 : i32
      %add3A_216 = arith.addi %add3A_215, %mul3A_25 : i32
      %add3A_217 = arith.constant 0 : i32
      %add3A_218 = arith.addi %select_n3A_207, %add3A_217 : i32
      tpu.yield
    }) : () -> ()
    "tpu.region"() ({
      %run_scoped3A = tpu.sem_alloc : memref<!tpu.dma_semaphore, #tpu.memory_space<semaphore_mem>>
      %dma_start3A = arith.constant 0 : i32
      %dma_start3A_26 = arith.constant 0 : i32
      %dma_start3A_27 = tpu.memref_slice %arg5[%add3A, %dma_start3A, %dma_start3A_26] : memref<32x128x16xf32, #tpu.memory_space<hbm>> -> memref<1x128x16xf32, #tpu.memory_space<hbm>>
      %dma_start3A_28 = tpu.memref_squeeze %dma_start3A_27 : memref<1x128x16xf32, #tpu.memory_space<hbm>> -> memref<128x16xf32, #tpu.memory_space<hbm>>
      %dma_start3A_29 = arith.constant 0 : i32
      %dma_start3A_30 = arith.constant 0 : i32
      %dma_start3A_31 = tpu.memref_slice %arg5[%add3A, %dma_start3A_29, %dma_start3A_30] : memref<32x128x16xf32, #tpu.memory_space<hbm>> -> memref<1x128x16xf32, #tpu.memory_space<hbm>>
      %dma_start3A_32 = tpu.memref_squeeze %dma_start3A_31 : memref<1x128x16xf32, #tpu.memory_space<hbm>> -> memref<128x16xf32, #tpu.memory_space<hbm>>
      tpu.enqueue_dma source(%arg8 : memref<128x16xf32, #tpu.memory_space<vmem>>) target(%dma_start3A_32 : memref<128x16xf32, #tpu.memory_space<hbm>>) target_semaphore(%run_scoped3A : memref<!tpu.dma_semaphore, #tpu.memory_space<semaphore_mem>>)
      %dma_wait3A = arith.constant 0 : i32
      %dma_wait3A_33 = arith.constant 0 : i32
      %dma_wait3A_34 = tpu.memref_slice %arg5[%add3A, %dma_wait3A, %dma_wait3A_33] : memref<32x128x16xf32, #tpu.memory_space<hbm>> -> memref<1x128x16xf32, #tpu.memory_space<hbm>>
      %dma_wait3A_35 = tpu.memref_squeeze %dma_wait3A_34 : memref<1x128x16xf32, #tpu.memory_space<hbm>> -> memref<128x16xf32, #tpu.memory_space<hbm>>
      %dma_wait3A_36 = arith.constant 0 : i32
      %dma_wait3A_37 = arith.constant 0 : i32
      %dma_wait3A_38 = tpu.memref_slice %arg5[%add3A, %dma_wait3A_36, %dma_wait3A_37] : memref<32x128x16xf32, #tpu.memory_space<hbm>> -> memref<1x128x16xf32, #tpu.memory_space<hbm>>
      %dma_wait3A_39 = tpu.memref_squeeze %dma_wait3A_38 : memref<1x128x16xf32, #tpu.memory_space<hbm>> -> memref<128x16xf32, #tpu.memory_space<hbm>>
      tpu.wait_dma2 semaphore(%run_scoped3A : memref<!tpu.dma_semaphore, #tpu.memory_space<semaphore_mem>>) src(%arg8 : memref<128x16xf32, #tpu.memory_space<vmem>>) dst(%dma_wait3A_39 : memref<128x16xf32, #tpu.memory_space<hbm>>)
      tpu.yield
    }) : () -> ()
    "tpu.region"() ({
      %run_scoped3A = tpu.sem_alloc : memref<!tpu.dma_semaphore, #tpu.memory_space<semaphore_mem>>
      %dma_start3A = arith.constant 0 : i32
      %dma_start3A_26 = arith.constant 0 : i32
      %dma_start3A_27 = tpu.memref_slice %arg6[%add3A, %dma_start3A, %dma_start3A_26] : memref<32x128x16xf32, #tpu.memory_space<hbm>> -> memref<1x128x16xf32, #tpu.memory_space<hbm>>
      %dma_start3A_28 = tpu.memref_squeeze %dma_start3A_27 : memref<1x128x16xf32, #tpu.memory_space<hbm>> -> memref<128x16xf32, #tpu.memory_space<hbm>>
      %dma_start3A_29 = arith.constant 0 : i32
      %dma_start3A_30 = arith.constant 0 : i32
      %dma_start3A_31 = tpu.memref_slice %arg6[%add3A, %dma_start3A_29, %dma_start3A_30] : memref<32x128x16xf32, #tpu.memory_space<hbm>> -> memref<1x128x16xf32, #tpu.memory_space<hbm>>
      %dma_start3A_32 = tpu.memref_squeeze %dma_start3A_31 : memref<1x128x16xf32, #tpu.memory_space<hbm>> -> memref<128x16xf32, #tpu.memory_space<hbm>>
      tpu.enqueue_dma source(%arg9 : memref<128x16xf32, #tpu.memory_space<vmem>>) target(%dma_start3A_32 : memref<128x16xf32, #tpu.memory_space<hbm>>) target_semaphore(%run_scoped3A : memref<!tpu.dma_semaphore, #tpu.memory_space<semaphore_mem>>)
      %dma_wait3A = arith.constant 0 : i32
      %dma_wait3A_33 = arith.constant 0 : i32
      %dma_wait3A_34 = tpu.memref_slice %arg6[%add3A, %dma_wait3A, %dma_wait3A_33] : memref<32x128x16xf32, #tpu.memory_space<hbm>> -> memref<1x128x16xf32, #tpu.memory_space<hbm>>
      %dma_wait3A_35 = tpu.memref_squeeze %dma_wait3A_34 : memref<1x128x16xf32, #tpu.memory_space<hbm>> -> memref<128x16xf32, #tpu.memory_space<hbm>>
      %dma_wait3A_36 = arith.constant 0 : i32
      %dma_wait3A_37 = arith.constant 0 : i32
      %dma_wait3A_38 = tpu.memref_slice %arg6[%add3A, %dma_wait3A_36, %dma_wait3A_37] : memref<32x128x16xf32, #tpu.memory_space<hbm>> -> memref<1x128x16xf32, #tpu.memory_space<hbm>>
      %dma_wait3A_39 = tpu.memref_squeeze %dma_wait3A_38 : memref<1x128x16xf32, #tpu.memory_space<hbm>> -> memref<128x16xf32, #tpu.memory_space<hbm>>
      tpu.wait_dma2 semaphore(%run_scoped3A : memref<!tpu.dma_semaphore, #tpu.memory_space<semaphore_mem>>) src(%arg9 : memref<128x16xf32, #tpu.memory_space<vmem>>) dst(%dma_wait3A_39 : memref<128x16xf32, #tpu.memory_space<hbm>>)
      tpu.yield
    }) : () -> ()
    return
  }
}

module attributes {stable_mosaic.version = 14 : i64} {
  func.func @_combine_body(%arg0: memref<32x128x16xf32, #tpu.memory_space<vmem>>, %arg1: memref<32x128x16xf32, #tpu.memory_space<vmem>>, %arg2: memref<1x1xf32, #tpu.memory_space<vmem>>) attributes {dimension_semantics = [], scalar_prefetch = 0 : i64, scratch_operands = 0 : i64, tpu.core_type = #tpu.core_type<tc>} {
    %get3A = arith.constant 0 : index
    %get3A_0 = arith.constant 0 : index
    %get3A_1 = arith.constant 0 : index
    %get3A_2 = vector.load %arg0[%get3A, %get3A_0, %get3A_1] : memref<32x128x16xf32, #tpu.memory_space<vmem>>, vector<32x128x16xf32>
    %get3A_3 = arith.constant 0 : index
    %get3A_4 = arith.constant 0 : index
    %get3A_5 = arith.constant 0 : index
    %get3A_6 = vector.load %arg1[%get3A_3, %get3A_4, %get3A_5] : memref<32x128x16xf32, #tpu.memory_space<vmem>>, vector<32x128x16xf32>
    %sub3A = arith.subf %get3A_2, %get3A_6 : vector<32x128x16xf32>
    %reduce_sum3A = arith.constant dense<0.000000e+00> : vector<128x16xf32>
    %reduce_sum3A_7 = vector.multi_reduction <add>, %sub3A, %reduce_sum3A [0] : vector<32x128x16xf32> to vector<128x16xf32>
    %reduce_sum3A_8 = arith.constant dense<0.000000e+00> : vector<128xf32>
    %reduce_sum3A_9 = vector.multi_reduction <add>, %reduce_sum3A_7, %reduce_sum3A_8 [1] : vector<128x16xf32> to vector<128xf32>
    %broadcast_in_dim3A = vector.shape_cast %reduce_sum3A_9 : vector<128xf32> to vector<128x1xf32>
    %mul3A = arith.mulf %broadcast_in_dim3A, %broadcast_in_dim3A : vector<128x1xf32>
    %reduce_sum3A_10 = vector.shape_cast %mul3A : vector<128x1xf32> to vector<1x128x1xf32>
    %reduce_sum3A_11 = arith.constant dense<0.000000e+00> : vector<1xf32>
    %reduce_sum3A_12 = vector.multi_reduction <add>, %reduce_sum3A_10, %reduce_sum3A_11 [1, 2] : vector<1x128x1xf32> to vector<1xf32>
    %reduce_sum3A_13 = vector.shape_cast %reduce_sum3A_12 : vector<1xf32> to vector<1x1x1xf32>
    %reduce_sum3A_14 = vector.extract %reduce_sum3A_13[0, 0, 0] : f32 from vector<1x1x1xf32>
    %reshape3A = vector.broadcast %reduce_sum3A_14 : f32 to vector<1x1xf32>
    %swap3A = arith.constant 0 : index
    %swap3A_15 = arith.constant 0 : index
    %swap3A_16 = vector.load %arg2[%swap3A, %swap3A_15] : memref<1x1xf32, #tpu.memory_space<vmem>>, vector<1x1xf32>
    tpu.vector_store %arg2[%swap3A, %swap3A_15], %reshape3A {strides = array<i32>} : memref<1x1xf32, #tpu.memory_space<vmem>>, vector<1x1xf32>,
    return
  }
}

module attributes {stable_mosaic.version = 14 : i64} {
  func.func @_minmax_body(%arg0: i32, %arg1: i32, %arg2: memref<32x32768xf32, #tpu.memory_space<vmem>>, %arg3: memref<32x32768xf32, #tpu.memory_space<vmem>>, %arg4: memref<1x8x128xf32, #tpu.memory_space<vmem>>, %arg5: memref<1x8x128xf32, #tpu.memory_space<vmem>>) attributes {dimension_semantics = [#tpu.dimension_semantics<parallel>, #tpu.dimension_semantics<arbitrary>], iteration_bounds = array<i64: 2, 16>, scalar_prefetch = 0 : i64, scratch_operands = 0 : i64, tpu.core_type = #tpu.core_type<tc>, window_params = [{transform_indices = @transform_0, window_bounds = array<i64: 32, 32768>}, {transform_indices = @transform_1, window_bounds = array<i64: 32, 32768>}, {transform_indices = @transform_2, window_bounds = array<i64: 1, 8, 128>}, {transform_indices = @transform_3, window_bounds = array<i64: 1, 8, 128>}]} {
    %eq3A = arith.constant 0 : i32
    %eq3A_0 = arith.cmpi eq, %arg1, %eq3A : i32
    %convert_element_type3A = arith.extui %eq3A_0 : i1 to i32
    %cond3A = arith.constant 0 : i32
    %cond3A_1 = arith.cmpi ne, %convert_element_type3A, %cond3A : i32
    scf.if %cond3A_1 {
      %broadcast_in_dim3A_67 = arith.constant 0x7F800000 : f32
      %broadcast_in_dim3A_68 = vector.broadcast %broadcast_in_dim3A_67 : f32 to vector<1x8x128xf32>
      %swap3A_69 = arith.constant 0 : index
      %swap3A_70 = arith.constant 0 : index
      %swap3A_71 = arith.constant 0 : index
      %swap3A_72 = vector.load %arg4[%swap3A_69, %swap3A_70, %swap3A_71] : memref<1x8x128xf32, #tpu.memory_space<vmem>>, vector<1x8x128xf32>
      tpu.vector_store %arg4[%swap3A_69, %swap3A_70, %swap3A_71], %broadcast_in_dim3A_68 {strides = array<i32>} : memref<1x8x128xf32, #tpu.memory_space<vmem>>, vector<1x8x128xf32>,
      %broadcast_in_dim3A_73 = arith.constant 0xFF800000 : f32
      %broadcast_in_dim3A_74 = vector.broadcast %broadcast_in_dim3A_73 : f32 to vector<1x8x128xf32>
      %swap3A_75 = arith.constant 0 : index
      %swap3A_76 = arith.constant 0 : index
      %swap3A_77 = arith.constant 0 : index
      %swap3A_78 = vector.load %arg5[%swap3A_75, %swap3A_76, %swap3A_77] : memref<1x8x128xf32, #tpu.memory_space<vmem>>, vector<1x8x128xf32>
      tpu.vector_store %arg5[%swap3A_75, %swap3A_76, %swap3A_77], %broadcast_in_dim3A_74 {strides = array<i32>} : memref<1x8x128xf32, #tpu.memory_space<vmem>>, vector<1x8x128xf32>,
    } else {
    }
    %iota3A = tpu.iota {dimensions = array<i32: 2>} : vector<1x8x128xi32>
    %get3A = arith.constant 0 : index
    %get3A_2 = arith.constant 0 : index
    %get3A_3 = vector.load %arg2[%get3A, %get3A_2] : memref<32x32768xf32, #tpu.memory_space<vmem>>, vector<32x32768xf32>
    %reduce_min3A = vector.shape_cast %get3A_3 : vector<32x32768xf32> to vector<1x32x32768xf32>
    %reduce_min3A_4 = arith.constant dense<0x7F800000> : vector<1xf32>
    %reduce_min3A_5 = vector.multi_reduction <minimumf>, %reduce_min3A, %reduce_min3A_4 [1, 2] : vector<1x32x32768xf32> to vector<1xf32>
    %reduce_min3A_6 = vector.shape_cast %reduce_min3A_5 : vector<1xf32> to vector<1x1x1xf32>
    %reduce_min3A_7 = vector.extract %reduce_min3A_6[0, 0, 0] : f32 from vector<1x1x1xf32>
    %get3A_8 = arith.constant 0 : index
    %get3A_9 = arith.constant 0 : index
    %get3A_10 = vector.load %arg3[%get3A_8, %get3A_9] : memref<32x32768xf32, #tpu.memory_space<vmem>>, vector<32x32768xf32>
    %reduce_min3A_11 = vector.shape_cast %get3A_10 : vector<32x32768xf32> to vector<1x32x32768xf32>
    %reduce_min3A_12 = arith.constant dense<0x7F800000> : vector<1xf32>
    %reduce_min3A_13 = vector.multi_reduction <minimumf>, %reduce_min3A_11, %reduce_min3A_12 [1, 2] : vector<1x32x32768xf32> to vector<1xf32>
    %reduce_min3A_14 = vector.shape_cast %reduce_min3A_13 : vector<1xf32> to vector<1x1x1xf32>
    %reduce_min3A_15 = vector.extract %reduce_min3A_14[0, 0, 0] : f32 from vector<1x1x1xf32>
    %get3A_16 = arith.constant 0 : index
    %get3A_17 = arith.constant 0 : index
    %get3A_18 = vector.load %arg2[%get3A_16, %get3A_17] : memref<32x32768xf32, #tpu.memory_space<vmem>>, vector<32x32768xf32>
    %reduce_max3A = vector.shape_cast %get3A_18 : vector<32x32768xf32> to vector<1x32x32768xf32>
    %reduce_max3A_19 = arith.constant dense<0xFF800000> : vector<1xf32>
    %reduce_max3A_20 = vector.multi_reduction <maximumf>, %reduce_max3A, %reduce_max3A_19 [1, 2] : vector<1x32x32768xf32> to vector<1xf32>
    %reduce_max3A_21 = vector.shape_cast %reduce_max3A_20 : vector<1xf32> to vector<1x1x1xf32>
    %reduce_max3A_22 = vector.extract %reduce_max3A_21[0, 0, 0] : f32 from vector<1x1x1xf32>
    %get3A_23 = arith.constant 0 : index
    %get3A_24 = arith.constant 0 : index
    %get3A_25 = vector.load %arg3[%get3A_23, %get3A_24] : memref<32x32768xf32, #tpu.memory_space<vmem>>, vector<32x32768xf32>
    %reduce_max3A_26 = vector.shape_cast %get3A_25 : vector<32x32768xf32> to vector<1x32x32768xf32>
    %reduce_max3A_27 = arith.constant dense<0xFF800000> : vector<1xf32>
    %reduce_max3A_28 = vector.multi_reduction <maximumf>, %reduce_max3A_26, %reduce_max3A_27 [1, 2] : vector<1x32x32768xf32> to vector<1xf32>
    %reduce_max3A_29 = vector.shape_cast %reduce_max3A_28 : vector<1xf32> to vector<1x1x1xf32>
    %reduce_max3A_30 = vector.extract %reduce_max3A_29[0, 0, 0] : f32 from vector<1x1x1xf32>
    %eq3A_31 = arith.constant 0 : i32
    %eq3A_32 = vector.broadcast %eq3A_31 : i32 to vector<1x8x128xi32>
    %eq3A_33 = arith.cmpi eq, %iota3A, %eq3A_32 : vector<1x8x128xi32>
    %eq3A_34 = arith.constant 1 : i32
    %eq3A_35 = vector.broadcast %eq3A_34 : i32 to vector<1x8x128xi32>
    %eq3A_36 = arith.cmpi eq, %iota3A, %eq3A_35 : vector<1x8x128xi32>
    %jit3A = arith.constant 0x7F800000 : f32
    %broadcast_in_dim3A = vector.broadcast %reduce_min3A_15 : f32 to vector<1x8x128xf32>
    %broadcast_in_dim3A_37 = vector.broadcast %jit3A : f32 to vector<1x8x128xf32>
    %select_n3A = arith.select %eq3A_36, %broadcast_in_dim3A, %broadcast_in_dim3A_37 : vector<1x8x128xi1>, vector<1x8x128xf32>
    %broadcast_in_dim3A_38 = vector.broadcast %reduce_min3A_7 : f32 to vector<1x8x128xf32>
    %select_n3A_39 = arith.select %eq3A_33, %broadcast_in_dim3A_38, %select_n3A : vector<1x8x128xi1>, vector<1x8x128xf32>
    %eq3A_40 = arith.constant 0 : i32
    %eq3A_41 = vector.broadcast %eq3A_40 : i32 to vector<1x8x128xi32>
    %eq3A_42 = arith.cmpi eq, %iota3A, %eq3A_41 : vector<1x8x128xi32>
    %eq3A_43 = arith.constant 1 : i32
    %eq3A_44 = vector.broadcast %eq3A_43 : i32 to vector<1x8x128xi32>
    %eq3A_45 = arith.cmpi eq, %iota3A, %eq3A_44 : vector<1x8x128xi32>
    %jit3A_46 = arith.constant 0xFF800000 : f32
    %broadcast_in_dim3A_47 = vector.broadcast %reduce_max3A_30 : f32 to vector<1x8x128xf32>
    %broadcast_in_dim3A_48 = vector.broadcast %jit3A_46 : f32 to vector<1x8x128xf32>
    %select_n3A_49 = arith.select %eq3A_45, %broadcast_in_dim3A_47, %broadcast_in_dim3A_48 : vector<1x8x128xi1>, vector<1x8x128xf32>
    %broadcast_in_dim3A_50 = vector.broadcast %reduce_max3A_22 : f32 to vector<1x8x128xf32>
    %select_n3A_51 = arith.select %eq3A_42, %broadcast_in_dim3A_50, %select_n3A_49 : vector<1x8x128xi1>, vector<1x8x128xf32>
    %get3A_52 = arith.constant 0 : index
    %get3A_53 = arith.constant 0 : index
    %get3A_54 = arith.constant 0 : index
    %get3A_55 = vector.load %arg4[%get3A_52, %get3A_53, %get3A_54] : memref<1x8x128xf32, #tpu.memory_space<vmem>>, vector<1x8x128xf32>
    %min3A = arith.minimumf %get3A_55, %select_n3A_39 : vector<1x8x128xf32>
    %swap3A = arith.constant 0 : index
    %swap3A_56 = arith.constant 0 : index
    %swap3A_57 = arith.constant 0 : index
    %swap3A_58 = vector.load %arg4[%swap3A, %swap3A_56, %swap3A_57] : memref<1x8x128xf32, #tpu.memory_space<vmem>>, vector<1x8x128xf32>
    tpu.vector_store %arg4[%swap3A, %swap3A_56, %swap3A_57], %min3A {strides = array<i32>} : memref<1x8x128xf32, #tpu.memory_space<vmem>>, vector<1x8x128xf32>,
    %get3A_59 = arith.constant 0 : index
    %get3A_60 = arith.constant 0 : index
    %get3A_61 = arith.constant 0 : index
    %get3A_62 = vector.load %arg5[%get3A_59, %get3A_60, %get3A_61] : memref<1x8x128xf32, #tpu.memory_space<vmem>>, vector<1x8x128xf32>
    %max3A = arith.maximumf %get3A_62, %select_n3A_51 : vector<1x8x128xf32>
    %swap3A_63 = arith.constant 0 : index
    %swap3A_64 = arith.constant 0 : index
    %swap3A_65 = arith.constant 0 : index
    %swap3A_66 = vector.load %arg5[%swap3A_63, %swap3A_64, %swap3A_65] : memref<1x8x128xf32, #tpu.memory_space<vmem>>, vector<1x8x128xf32>
    tpu.vector_store %arg5[%swap3A_63, %swap3A_64, %swap3A_65], %max3A {strides = array<i32>} : memref<1x8x128xf32, #tpu.memory_space<vmem>>, vector<1x8x128xf32>,
    return
  }
  func.func @transform_0(%arg0: i32, %arg1: i32) -> (i32, i32) {
    %mul3A = arith.constant 16 : i32
    %mul3A_0 = arith.muli %arg0, %mul3A : i32
    %add3A = arith.addi %mul3A_0, %arg1 : i32
    %c0_i32 = arith.constant 0 : i32
    %c0_i32_1 = arith.constant 0 : i32
    return %c0_i32, %add3A : i32, i32
  }
  func.func @transform_1(%arg0: i32, %arg1: i32) -> (i32, i32) {
    %mul3A = arith.constant 16 : i32
    %mul3A_0 = arith.muli %arg0, %mul3A : i32
    %add3A = arith.addi %mul3A_0, %arg1 : i32
    %c0_i32 = arith.constant 0 : i32
    %c0_i32_1 = arith.constant 0 : i32
    return %c0_i32, %add3A : i32, i32
  }
  func.func @transform_2(%arg0: i32, %arg1: i32) -> (i32, i32, i32) {
    %c0_i32 = arith.constant 0 : i32
    %c0_i32_0 = arith.constant 0 : i32
    %c0_i32_1 = arith.constant 0 : i32
    return %arg0, %c0_i32, %c0_i32_0 : i32, i32, i32
  }
  func.func @transform_3(%arg0: i32, %arg1: i32) -> (i32, i32, i32) {
    %c0_i32 = arith.constant 0 : i32
    %c0_i32_0 = arith.constant 0 : i32
    %c0_i32_1 = arith.constant 0 : i32
    return %arg0, %c0_i32, %c0_i32_0 : i32, i32, i32
  }
}

</mosaic_0001>

<sc_bundles>
// kernel: kernel.5.cloned.1.call-start
scs
__scs_entry_jumppad:
0x0: {  	(pc) =	sbr.rel $0x88, $3  }
0x1: {  	(tag) =	ssettag $0x0;
	lr =	simm.s32 $0x1  }
0x2: {  	[smem:$0x3F9F] =	sst lr;
	_ =	strace $0xD0000000  }
0x3: {  	_ = 	snop  }
0x4: {  	_ = 	snop  }
0x5: {  	_ = 	snop  }
0x6: {  	_ = 	snop  }
0x7: {  	_ = 	snop  }
__scs_overlays_trampoline_lowered:
0x8: {  	[smem:$0x3FAE] =	sst s0  }
0x9: {  	[smem:$0x3FAF] =	sst s1  }
0xa: {  	[smem:$0x3FB0] =	sst s2  }
0xb: {  	[smem:$0x3FB1] =	sst s3  }
0xc: {  	[smem:$0x3FB2] =	sst s4  }
0xd: {  	[smem:$0x3FB3] =	sst s5  }
0xe: {  	[smem:$0x3FB4] =	sst s6  }
0xf: {  	[smem:$0x3FB5] =	sst s7  }
0x10: {  	[smem:$0x3FB6] =	sst s8  }
0x11: {  	[smem:$0x3FB7] =	sst s9;
	s0 =	simm.s32 @!p0 $0x0  }
0x12: {  	s1 =	sld [smem:$0x3F9D];
	s0 =	simm.s32 @p0 $0x1  }
0x13: {  	[smem:$0x3FB8] =	sst s0;
	s0 =	simm.s32 @!p1 $0x0  }
0x14: {  	s2 =	sld [smem:$0x3F9C];
	s0 =	simm.s32 @p1 $0x1  }
0x15: {  	[smem:$0x3FB9] =	sst s0;
	s0 =	simm.s32 @!p2 $0x0  }
0x16: {  	s3 =	sld [smem:$0x3FDB];
	s0 =	simm.s32 @p2 $0x1  }
0x17: {  	s4 =	simm.s32 $0x1BF5;
	[smem:$0x3FBB] =	sst s0  }
0x18: {  	s0 =	sld [smem:$0x3F9E];
	_ =	swait.ge [sflag:s4], $0x0  }
0x19: {  	s7 =	sld [smem:$0x3F9F]  }
0x1a: {  	s8 =	sadd.s32 $0xFFFFE003, lr  }
0x1b: {  	s9 =	sadd.s32 $0xFFFFFEF7, lr;
	s5 =	simm.s32 $0xFFFFFFFF;
	p2 =	slt.u32 s8, $0xFFFFF086  }
0x1c: {  	p1 =	slt.u32 s9, $0xF7A;
	s5 =	simm.s32 @!p2 $0x0  }
0x1d: {  	s5 =	simm.s32 @p1 $0x1;
	p0 =	seq.s32 s7, s2  }
0x1e: {  	s7 =	smul.u32 @!p0 $0xF7A, s2;
	p2 =	seq.s32 @!p0 s5, $0x0  }
0x1f: {  	s9 =	smul.u32 $0xF7A, s1;
	s8 =	simm.s32 @!p0 $0x1BF5;
	p2 =	por !p2, p0  }
0x20: {  	[sflag:s8] =	ssyncset.s32 @!p0 $0xFFFFF086;
	s6 =	sadd.s32 @!p0 s3, s7;
	s7 =	simm.s32 @!p0 $0x108  }
0x21: {  	s3 =	sadd.s32 s3, s9;
	s6 =	sadd.s32 @!p0 $0x88, s6;
	s7 =	simm.s32 @p2 $0x1082  }
0x22: {  	[simem:s7], [sflag:s8] =	dma.local @!p0 [hbm:s6], $0xF7A  }
0x23: {  	s9 =	sor.u32 $0xD0000000, s2;
	s6 =	simm.s32 $0x108;
	_ =	swait.ge @!p0 [sflag:s8], $0x0  }
0x24: {  	s3 =	sadd.s32 $0x88, s3;
	s6 =	simm.s32 @!p1 $0x1082;
	[sflag:s4] =	ssyncset.s32 $0xFFFFF086  }
0x25: {  	[simem:s6], [sflag:s4] =	dma.local [hbm:s3], $0xF7A  }
0x26: {  	[smem:$0x3F9F] =	sst s1;
	(tag) =	ssettag s2;
	_ =	strace s9  }
0x27: {  	s1 =	sld [smem:$0x3FAF]  }
0x28: {  	s2 =	sld [smem:$0x3FB0]  }
0x29: {  	s4 =	sld [smem:$0x3FB2]  }
0x2a: {  	p0 =	seq.s32 s5, $0x0;
	s5 =	sld [smem:$0x3FB3]  }
0x2b: {  	s6 =	sld [smem:$0x3FB4]  }
0x2c: {  	s7 =	sld [smem:$0x3FB5]  }
0x2d: {  	s3 =	simm.s32 $0x108;
	s8 =	sld [smem:$0x3FB6]  }
0x2e: {  	s3 =	simm.s32 @!p0 $0x1082;
	s9 =	sld [smem:$0x3FB7]  }
0x2f: {  	lr =	sadd.s32 s0, s3;
	s0 =	sld [smem:$0x3FAE]  }
0x30: {  	s3 =	sld [smem:$0x3FB1]  }
0x31: {  	[smem:$0x3FBA] =	sst s10  }
0x32: {  	s10 =	sld [smem:$0x3FB8];
	_ =	sdelay $0x3  }
0x33: {  	p0 =	seq.s32 s10, $0x1;
	s10 =	sld [smem:$0x3FBA];
	_ =	sdelay $0x3  }
0x34: {  	[smem:$0x3FBA] =	sst s10  }
0x35: {  	s10 =	sld [smem:$0x3FB9];
	_ =	sdelay $0x3  }
0x36: {  	p1 =	seq.s32 s10, $0x1;
	s10 =	sld [smem:$0x3FBA];
	_ =	sdelay $0x3  }
0x37: {  	[smem:$0x3FBA] =	sst s10  }
0x38: {  	s10 =	sld [smem:$0x3FBB]  }
0x39: {  	_ = 	snop;
	(pc) =	sbr.ind lr, $3  }
0x3a: {  	_ = 	snop  }
0x3b: {  	_ = 	snop  }
0x3c: {  	p2 =	seq.s32 s10, $0x1;
	s10 =	sld [smem:$0x3FBA]  }
0x3d: {  	_ =	shalt  }
0x3e: {  	_ =	shalt  }
0x3f: {  	_ =	shalt  }
0x40: {  	_ =	shalt  }
0x41: {  	_ =	shalt  }
0x42: {  	_ =	shalt  }
0x43: {  	_ =	shalt  }
0x44: {  	_ =	shalt  }
0x45: {  	_ =	shalt  }
0x46: {  	_ =	shalt  }
0x47: {  	_ =	shalt  }
0x48: {  	_ =	shalt  }
0x49: {  	_ =	shalt  }
0x4a: {  	_ =	shalt  }
0x4b: {  	_ =	shalt  }
0x4c: {  	_ =	shalt  }
0x4d: {  	_ =	shalt  }
0x4e: {  	_ =	shalt  }
0x4f: {  	_ =	shalt  }
0x50: {  	_ =	shalt  }
0x51: {  	_ =	shalt  }
0x52: {  	_ =	shalt  }
0x53: {  	_ =	shalt  }
0x54: {  	_ =	shalt  }
0x55: {  	_ =	shalt  }
0x56: {  	_ =	shalt  }
0x57: {  	_ =	shalt  }
0x58: {  	_ =	shalt  }
0x59: {  	_ =	shalt  }
0x5a: {  	_ =	shalt  }
0x5b: {  	_ =	shalt  }
0x5c: {  	_ =	shalt  }
0x5d: {  	_ =	shalt  }
0x5e: {  	_ =	shalt  }
0x5f: {  	_ =	shalt  }
0x60: {  	_ =	shalt  }
0x61: {  	_ =	shalt  }
0x62: {  	_ =	shalt  }
0x63: {  	_ =	shalt  }
0x64: {  	_ =	shalt  }
0x65: {  	_ =	shalt  }
0x66: {  	_ =	shalt  }
0x67: {  	_ =	shalt  }
0x68: {  	_ =	shalt  }
0x69: {  	_ =	shalt  }
0x6a: {  	_ =	shalt  }
0x6b: {  	_ =	shalt  }
0x6c: {  	_ =	shalt  }
0x6d: {  	_ =	shalt  }
0x6e: {  	_ =	shalt  }
0x6f: {  	_ =	shalt  }
0x70: {  	_ =	shalt  }
0x71: {  	_ =	shalt  }
0x72: {  	_ =	shalt  }
0x73: {  	_ =	shalt  }
0x74: {  	_ =	shalt  }
0x75: {  	_ =	shalt  }
0x76: {  	_ =	shalt  }
0x77: {  	_ =	shalt  }
0x78: {  	_ =	shalt  }
0x79: {  	_ =	shalt  }
0x7a: {  	_ =	shalt  }
0x7b: {  	_ =	shalt  }
0x7c: {  	_ =	shalt  }
0x7d: {  	_ =	shalt  }
0x7e: {  	_ =	shalt  }
0x7f: {  	_ =	shalt  }
0x80: {  	_ =	shalt  }
0x81: {  	_ =	shalt  }
0x82: {  	_ =	shalt  }
0x83: {  	_ =	shalt  }
0x84: {  	_ =	shalt  }
0x85: {  	_ =	shalt  }
0x86: {  	_ =	shalt  }
0x87: {  	_ =	shalt  }
.Lfunc_end0:
.L_simem_size_0:
called_computation_lowered:
.L_overlay_start_0:
0x88: {  	s2 =	sld [smem:$0x3FD9]  }
0x89: {  	s3 =	sld [smem:$0x3FFE];
	_ =	sdelay $0x1  }
0x8a: {  	s1 =	srdreg.scid  }
0x8b: {  	s0 =	sand.u32 $0x1, s1  }
0x8c: {  	s17 =	sshll.u32 s0, $0xA;
	s2 =	sadd.s32 s3, s2  }
0x8d: {  	s2 =	sadd.s32 s2, s17  }
0x8e: {  	[smem:$0x3FC6] =	sst s2  }
0x8f: {  	_ = 	snop  }
0x90: {  	s2 =	sld [smem:$0x3FC9]  }
0x91: {  	s18 =	sld [smem:$0x3FC8]  }
0x92: {  	s4 =	sld [smem:$0x3FD0];
	(tm) =	ssettm $0x1  }
0x93: {  	s5 =	sld [smem:$0x3FFB];
	_ =	sdelay $0x3  }
0x94: {  	_ =	strace s5  }
0x95: {  	s5 =	sld [smem:$0x3FFC];
	_ =	sdelay $0x3  }
0x96: {  	_ =	strace s5  }
0x97: {  	s5 =	sld [smem:$0x3FFD];
	_ =	sdelay $0x3  }
0x98: {  	_ =	strace s5  }
0x99: {  	_ =	strace $0x8FFFFFFF  }
0x9a: {  	s19 =	sld [smem:$0x3FDB];
	_ =	sdelay $0x1  }
0x9b: {  	s6 =	simm.s32 $_scs_section_size  }
0x9c: {  	s7 =	simm.s32 $_size__tile_overlayer_lowered;
	s8 =	simm.s32 $_tile_overlayer_lowered  }
0x9d: {  	s22 =	simm.s32 $0x1BFF;
	s21 =	sshll.u32 s8, $0x1;
	s5 =	sadd.s32 s6, s19  }
0x9e: {  	s9 =	simm.s32 $0x0;
	s20 =	sshll.u32 s7, $0x1;
	s7 =	sadd.s32 s21, s5  }
0x9f: {  	[timem:s9], [sflag:s22] =	dma.local [hbm:s7], s20  }
0xa0: {  	_ =	swait.ge [sflag:s22], s20  }
0xa1: {  	s6 =	ssub.s32 $0x0, s20;
	[sflag:s22] =	ssyncset.done $0x0  }
0xa2: {  	[sflag:s22] =	ssyncadd.s32 s6;
	_ =	sdelay $0x1  }
0xa3: {  	s23 =	simm.s32 $0x1B8B  }
0xa4: {  	_ =	swait.ge [sflag:s23], $0x1  }
0xa5: {  	[sflag:s23] =	ssyncset.done $0x0  }
0xa6: {  	s25 =	simm.s32 $0x1B8E;
	s24 =	sld [smem:$0x3FFE];
	[sflag:s23] =	ssyncadd.s32 $0xFFFFFFFF  }
0xa7: {  	s26 =	simm.s32 $execute0_lowered;
	[smem:$0x3FD2] =	sst s25  }
0xa8: {  	s7 =	sshll.u32 s26, $0x1;
	_ =	strace $0x80000046;
	[dreg:$0x1] =	wrdreg $0xFFFFFFFF  }
0xa9: {  	s28 =	simm.s32 $_size_execute0_lowered;
	s5 =	sadd.s32 s5, s7;
	[dreg:$0x0] =	wrdreg $0x0  }
0xaa: {  	s7 =	sshll.u32 s28, $0x1;
	[dreg:$0x2] =	wrdreg s5  }
0xab: {  	[dreg:$0x3] =	wrdreg s7  }
0xac: {  	[dreg:$0x4] =	wrdreg $0xC0  }
0xad: {  	_ =	task [dreg:s9], $0x5FFFF  }
0xae: {  	[dreg:$0x1] =	wrdreg $0xFFFFFFFF  }
0xaf: {  	[dreg:$0x0] =	wrdreg $0x60  }
0xb0: {  	[dreg:$0x2] =	wrdreg s2  }
0xb1: {  	[dreg:$0x3] =	wrdreg s18  }
0xb2: {  	[dreg:$0x4] =	wrdreg s4  }
0xb3: {  	[dreg:$0x5] =	wrdreg s24  }
0xb4: {  	[dreg:$0x6] =	wrdreg $0x9  }
0xb5: {  	_ =	task.clear_ibuf [dreg:s9], $0x7FFFF;
	_ =	strace $0x90000046  }
0xb6: {  	s29 =	simm.s32 $0x9;
	_ =	strace $0x8000004E  }
0xb7: {  	_ =	swait.ge [sflag:s29], $0x1  }
0xb8: {  	[sflag:s29] =	ssyncadd.s32 $0xFFFFFFFF  }
0xb9: {  	_ =	strace $0x9000004E  }
0xba: {  	_ =	sfence  }
0xbb: {  	s30 =	sld [smem:$0x0];
	_ =	sdelay $0x2  }
0xbc: {  	s31 =	sshll.u32 s1, $0xD;
	s1 =	sshrl.u32 s1, $0x2  }
0xbd: {  	s3 =	sand.u32 $0x4000, s31;
	s1 =	sadd.s32 s1, s30  }
0xbe: {  	s0 =	sor.u32 s3, s0;
	s1 =	sshll.u32 s1, $0x11  }
0xbf: {  	s0 =	sor.u32 s1, s0  }
0xc0: {  	s0 =	sadd.s32 $0x8F2B, s0  }
0xc1: {  	[sflag:s0] =	ssyncadd.remote.s32 $0x1  }
0xc2: {  	_ =	sfence.sel $0xFFFF  }
0xc3: {  	[dreg:$0x0] =	wrdreg $0xFFFFFFFF;
	(pc) =	sbr.abs _section_cstart, $3  }
0xc4: {  	[dreg:$0x1] =	wrdreg $0xFFFFFFFF  }
0xc5: {  	_ =	task.clear_ibuf [dreg:s9], $0x2FFFF;
	_ =	strace $0x9FFFFFFF  }
0xc6: {  	(tm) =	ssettm $0x7FFFFFFF  }
0xc7: {  	_ =	shalt  }
tec
execute0_lowered:
.L_overlay_start_1:
0x0: {  	(tag) =	ssettag $0x1  }
0x1: {  	s1 =	rddreg [dreg:$0x0]  }
0x2: {  	s2 =	rddreg [dreg:$0x1]  }
0x3: {  	s3 =	rddreg [dreg:$0x2]  }
0x4: {  	s9 =	rddreg [dreg:$0x3];
	s5 =	simm.s32 $0x0;
	s6 =	srdreg.scid  }
0x5: {  	s0 =	stileid.u32;
	s13 =	simm.s32 $0x80;
	s14 =	simm.s32 $0x400  }
0x6: {  	s15 =	simm.s32 $0x8080;
	s16 =	simm.s32 $0x10080;
	s17 =	simm.s32 $0x4080  }
0x7: {  	s18 =	simm.s32 $0x0;
	[smem:$0x7FF] =	sst s5;
	s7 =	sand.u32 $0x1, s6  }
0x8: {  	s26 =	sshll.u32 s0, $0x14;
	s11 =	sshll.u32 s0, $0x7;
	s29 =	sshll.u32 s0, $0xC  }
0x9: {  	_ =	strace $0x80000047;
	s8 =	ssub.s32 $0x2, s7;
	s10 =	sshll.u32 s7, $0x18  }
0xa: {  	s6 =	sand.u32 $0x800000, s26;
	s28 =	sand.u32 $0x380, s11;
	s7 =	sshll.u32 s7, $0xB  }
0xb: {  	s12 =	sshrl.u32 s8, $0x1;
	s6 =	sor.u32 s10, s6;
	s10 =	sor.u32 s7, s29  }
0xc: {  	s6 =	sor.u32 s28, s6;
	s30 =	ssub.s32 s8, s12;
	s9 =	sadd.s32 s9, s10  }
0xd: {  	s12 =	simm.s32 $0x1;
	s31 =	sshrl.u32 s6, $0x3;
	s10 =	sadd.s32 $0x10000, s9  }
0xe: {  	v0 =	vimm.f32 $0.0e+00;
	v1 =	vlaneseq.u32;
	v2 =	vimm.f32 $1.000000000e+00;
	s11 =	smax.u32 s30, $0x1;
	s7 =	sadd.s32 s1, s31;
	s8 =	sadd.s32 s2, s31  }
.LBB2_1:
0xf: {  	[tilespmem:s5], [sflag:$0x1] =	stream.linear.gather [hbm4b:s3+s5], $0x80, $0x38;
	[tilespmem:$0x18080] =	vst v63  }
0x10: {  	_ =	swait.ge [sflag:s12], $0x80  }
0x11: {  	[sflag:s12] =	ssyncset.done $0x0  }
0x12: {  	[sflag:s12] =	ssyncadd.s32 $0xFFFFFF80  }
0x13: {  	v3 =	vld [tilespmem:$0x0]  }
0x14: {  	v4 =	vld [tilespmem:$0x10]  }
0x15: {  	v5 =	vld [tilespmem:$0x20]  }
0x16: {  	s19 =	simm.s32 $0x200;
	s20 =	simm.s32 $0x0;
	v6 =	vld [tilespmem:$0x30]  }
.LBB2_2:
0x17: {  	p0 =	sne.s32 s19, $0xFE00;
	[tilespmem:s20+$0x80] =	vst v0;
	s21 =	smov.u32 s19;
	s19 =	sadd.s32 $0x200, s19  }
.Ltmp0:
0x18: {  	[tilespmem:s20+$0x4080] =	vst v0;
	(pc) =	sbr.rel @p0 .LBB2_2-.Ltmp0, $2  }
0x19: {  	_ =	sdelay $0x2  }
0x1a: {  	s20 =	sshra.s32 s21, $0x2  }
0x1b: {  	[tilespmem:s20+$0x80] =	vst v0  }
0x1c: {  	[tilespmem:s20+$0x4080] =	vst v0  }
0x1d: {  	s19 =	simm.s32 $0x1;
	_ =	strace $0x80000048  }
0x1e: {  	[tilespmem:s15], [sflag:$0x1] =	stream.strided.gather [hbm4b:s7+s13], $0x4000, s14, s13, $0x200038;
	[tilespmem:$0x18080] =	vst v63  }
0x1f: {  	s25 =	simm.s32 $0x0;
	s20 =	simm.s32 $0x0;
	s21 =	simm.s32 $0x1  }
0x20: {  	[tilespmem:s16], [sflag:$0x3] =	stream.strided.gather [hbm4b:s8+s13], $0x4000, s14, s13, $0x200038;
	[tilespmem:$0x18080] =	vst v63  }
0x21: {  	s22 =	simm.s32 $0x0;
	s23 =	simm.s32 $0x0;
	_ =	strace $0x90000048  }
.LBB2_4:
0x22: {  	s24 =	sadd.s32 $0x1, s25  }
0x23: {  	p0 =	seq.s32 s24, $0x40  }
0x24: {  	s24 =	simm.s32 @p0 $0x0;
	p0 =	seq.s32 s23, $0x3F  }
0x25: {  	p1 =	seq.s32 @!p0 s25, s24  }
0x26: {  	p2 =	por p1, p0  }
0x27: {  	s26 =	sshll.u32 @!p2 s24, $0x11;
	s29 =	sand.u32 @!p2 $0x1, s19  }
0x28: {  	_ =	strace @!p2 $0x80000049;
	s0 =	simm.s32 @!p2 $0x80;
	s26 =	sadd.s32 @!p2 s6, s26  }
0x29: {  	s4 =	simm.s32 @!p2 $0x400;
	s30 =	sshll.u32 @!p2 s29, $0xE;
	s26 =	sshrl.u32 @!p2 s26, $0x3  }
0x2a: {  	s29 =	sadd.s32 @!p2 $0x1, s29;
	s30 =	sor.u32 @!p2 $0x8080, s30;
	s31 =	sadd.s32 @!p2 s1, s26  }
0x2b: {  	[tilespmem:s30], [sflag:s29] =	stream.strided.gather @!p2 [hbm4b:s31+s0], $0x4000, s4, s0, $0x200038;
	[tilespmem:$0x18080] =	vst v63  }
0x2c: {  	s29 =	sand.u32 @!p2 $0x1, s21  }
0x2d: {  	s26 =	sadd.s32 @!p2 s2, s26;
	_ =	strace @!p2 $0x90000049;
	s30 =	sshll.u32 @!p2 s29, $0xE  }
0x2e: {  	s29 =	sadd.s32 @!p2 $0x3, s29;
	_ =	strace @!p2 $0x8000004A;
	s30 =	sor.u32 @!p2 $0x10080, s30  }
0x2f: {  	[tilespmem:s30], [sflag:s29] =	stream.strided.gather @!p2 [hbm4b:s26+s0], $0x4000, s4, s0, $0x200038;
	[tilespmem:$0x18080] =	vst v63  }
0x30: {  	s0 =	sand.u32 $0x1, s22;
	_ =	strace @!p2 $0x9000004A  }
0x31: {  	s26 =	sadd.s32 $0x1, s0;
	_ =	strace $0x8000004B  }
0x32: {  	_ =	swait.ge [sflag:s26], $0x4000  }
0x33: {  	[sflag:s26] =	ssyncset.done $0x0  }
0x34: {  	[sflag:s26] =	ssyncadd.s32 $0xFFFFC000  }
0x35: {  	s29 =	sand.u32 $0x1, s20;
	_ =	strace $0x9000004B  }
0x36: {  	s31 =	sadd.s32 $0x3, s29;
	_ =	strace $0x8000004C  }
0x37: {  	_ =	swait.ge [sflag:s31], $0x4000  }
0x38: {  	[sflag:s31] =	ssyncset.done $0x0  }
0x39: {  	[sflag:s31] =	ssyncadd.s32 $0xFFFFC000  }
0x3a: {  	s0 =	sshll.u32 s0, $0xE;
	_ =	strace $0x9000004C  }
0x3b: {  	s4 =	sor.u32 $0x8100, s0;
	_ =	strace $0x8000004D  }
0x3c: {  	v7 =	vld [tilespmem:s4+$0x70]  }
0x3d: {  	v8 =	vld [tilespmem:s4+$0xFFFFFF90]  }
0x3e: {  	v9 =	vld [tilespmem:s4+$0xFFFFFFA0]  }
0x3f: {  	v10 =	vld [tilespmem:s4+$0xFFFFFFB0]  }
0x40: {  	v11 =	vld [tilespmem:s4+$0xFFFFFFC0]  }
0x41: {  	v12 =	vld [tilespmem:s4+$0xFFFFFFD0]  }
0x42: {  	v13 =	vld [tilespmem:s4+$0xFFFFFFE0]  }
0x43: {  	v14 =	vld [tilespmem:s4+$0xFFFFFFF0]  }
0x44: {  	v15 =	vld [tilespmem:s4+$0x0]  }
0x45: {  	v16 =	vld [tilespmem:s4+$0x10]  }
0x46: {  	v17 =	vld [tilespmem:s4+$0x20]  }
0x47: {  	v18 =	vld [tilespmem:s4+$0x30]  }
0x48: {  	v19 =	vld [tilespmem:s4+$0x40]  }
0x49: {  	v20 =	vld [tilespmem:s4+$0x50]  }
0x4a: {  	v21 =	vld [tilespmem:s4+$0x60]  }
0x4b: {  	s30 =	sadd.s32 $0x100, s4;
	v22 =	vld [tilespmem:s4+$0xFFFFFF80];
	v7 =	vmul.f32 v7, v4  }
0x4c: {  	v25 =	vld [tilespmem:s30+$0xFFFFFF90];
	v8 =	vmul.f32 v8, v4;
	v9 =	vmul.f32 v9, v4  }
0x4d: {  	v26 =	vld [tilespmem:s30+$0xFFFFFFA0];
	v10 =	vmul.f32 v10, v4;
	v11 =	vmul.f32 v11, v4  }
0x4e: {  	v27 =	vld [tilespmem:s30+$0xFFFFFFB0];
	v12 =	vmul.f32 v12, v4;
	v13 =	vmul.f32 v13, v4  }
0x4f: {  	v29 =	vld [tilespmem:s30+$0xFFFFFFC0];
	v14 =	vmul.f32 v14, v4;
	v15 =	vmul.f32 v15, v4  }
0x50: {  	v31 =	vld [tilespmem:s30+$0xFFFFFFF0];
	v16 =	vmul.f32 v16, v4;
	v17 =	vmul.f32 v17, v4  }
0x51: {  	v32 =	vld [tilespmem:s30+$0x0];
	v18 =	vmul.f32 v18, v4;
	v19 =	vmul.f32 v19, v4  }
0x52: {  	v33 =	vld [tilespmem:s30+$0x10];
	v20 =	vmul.f32 v20, v4;
	v21 =	vmul.f32 v21, v4  }
0x53: {  	v34 =	vld [tilespmem:s30+$0x30];
	v22 =	vmul.f32 v22, v4;
	v25 =	vmul.f32 v25, v4  }
0x54: {  	v35 =	vld [tilespmem:s30+$0x40];
	v26 =	vmul.f32 v26, v4;
	v27 =	vmul.f32 v27, v4  }
0x55: {  	v36 =	vld [tilespmem:s30+$0x50];
	v29 =	vmul.f32 v29, v4;
	v31 =	vmul.f32 v31, v4  }
0x56: {  	v37 =	vld [tilespmem:s30+$0x60];
	v32 =	vmul.f32 v32, v4;
	v7 =	vsub.f32 v7, v3;
	v8 =	vsub.f32 v8, v3  }
0x57: {  	v38 =	vld [tilespmem:s30+$0xFFFFFF80];
	v33 =	vmul.f32 v33, v4;
	v9 =	vsub.f32 v9, v3;
	v10 =	vsub.f32 v10, v3  }
0x58: {  	v34 =	vmul.f32 v34, v4;
	v11 =	vsub.f32 v11, v3;
	v12 =	vsub.f32 v12, v3  }
0x59: {  	v35 =	vmul.f32 v35, v4;
	v13 =	vsub.f32 v13, v3;
	v14 =	vsub.f32 v14, v3  }
0x5a: {  	v36 =	vmul.f32 v36, v4;
	v15 =	vsub.f32 v15, v3;
	v16 =	vsub.f32 v16, v3  }
0x5b: {  	v37 =	vmul.f32 v37, v4;
	v17 =	vsub.f32 v17, v3;
	v18 =	vsub.f32 v18, v3  }
0x5c: {  	v38 =	vmul.f32 v38, v4;
	v19 =	vsub.f32 v19, v3;
	v20 =	vsub.f32 v20, v3  }
0x5d: {  	v22 =	vsub.f32 v22, v3;
	v21 =	vsub.f32 v21, v3;
	v7 =	vtrunc.f32 v7  }
0x5e: {  	v25 =	vsub.f32 v25, v3;
	v8 =	vtrunc.f32 v8;
	v9 =	vtrunc.f32 v9  }
0x5f: {  	v26 =	vsub.f32 v26, v3;
	v10 =	vtrunc.f32 v10;
	v11 =	vtrunc.f32 v11  }
0x60: {  	v27 =	vsub.f32 v27, v3;
	v12 =	vtrunc.f32 v12;
	v13 =	vtrunc.f32 v13  }
0x61: {  	v29 =	vsub.f32 v29, v3;
	v14 =	vtrunc.f32 v14;
	v15 =	vtrunc.f32 v15  }
0x62: {  	v32 =	vsub.f32 v32, v3;
	v16 =	vtrunc.f32 v16;
	v17 =	vtrunc.f32 v17  }
0x63: {  	v33 =	vsub.f32 v33, v3;
	v18 =	vtrunc.f32 v18;
	v19 =	vtrunc.f32 v19  }
0x64: {  	v34 =	vsub.f32 v34, v3;
	v22 =	vtrunc.f32 v22;
	v20 =	vtrunc.f32 v20  }
0x65: {  	v35 =	vsub.f32 v35, v3;
	v21 =	vtrunc.f32 v21;
	v25 =	vtrunc.f32 v25  }
0x66: {  	v38 =	vsub.f32 v38, v3;
	v26 =	vtrunc.f32 v26;
	v27 =	vtrunc.f32 v27  }
0x67: {  	v36 =	vsub.f32 v36, v3;
	v29 =	vtrunc.f32 v29;
	v32 =	vtrunc.f32 v32  }
0x68: {  	v37 =	vsub.f32 v37, v3;
	v33 =	vtrunc.f32 v33;
	v34 =	vtrunc.f32 v34  }
0x69: {  	v35 =	vtrunc.f32 v35;
	v38 =	vtrunc.f32 v38  }
0x6a: {  	v36 =	vtrunc.f32 v36;
	v37 =	vtrunc.f32 v37  }
0x6b: {  	v7 =	vcvt.f32.s32 v7;
	v22 =	vcvt.f32.s32 v22  }
0x6c: {  	v8 =	vcvt.f32.s32 v8;
	v9 =	vcvt.f32.s32 v9  }
0x6d: {  	v10 =	vcvt.f32.s32 v10;
	v11 =	vcvt.f32.s32 v11  }
0x6e: {  	v12 =	vcvt.f32.s32 v12;
	v13 =	vcvt.f32.s32 v13  }
0x6f: {  	v14 =	vcvt.f32.s32 v14;
	v15 =	vcvt.f32.s32 v15  }
0x70: {  	v16 =	vcvt.f32.s32 v16;
	v17 =	vcvt.f32.s32 v17  }
0x71: {  	v18 =	vcvt.f32.s32 v18;
	v19 =	vcvt.f32.s32 v19  }
0x72: {  	v20 =	vcvt.f32.s32 v20;
	v21 =	vcvt.f32.s32 v21  }
0x73: {  	v38 =	vcvt.f32.s32 v38;
	v25 =	vcvt.f32.s32 v25  }
0x74: {  	v26 =	vcvt.f32.s32 v26;
	v27 =	vcvt.f32.s32 v27  }
0x75: {  	v29 =	vcvt.f32.s32 v29;
	v32 =	vcvt.f32.s32 v32  }
0x76: {  	v33 =	vcvt.f32.s32 v33;
	v34 =	vcvt.f32.s32 v34  }
0x77: {  	v35 =	vcvt.f32.s32 v35;
	v36 =	vcvt.f32.s32 v36;
	vm0 =	vlt.s32 v7, $0x63  }
0x78: {  	vm9 =	vlt.s32 v22, $0x63;
	vm1 =	vlt.s32 v8, $0x63;
	vm2 =	vlt.s32 v9, $0x63  }
0x79: {  	vm10 =	vlt.s32 v10, $0x63;
	vm12 =	vlt.s32 v12, $0x63;
	vm13 =	vlt.s32 v13, $0x63  }
0x7a: {  	vm14 =	vlt.s32 v14, $0x63;
	vm15 =	vlt.s32 v15, $0x63;
	v7 =	vnsel vm0, $0x63, v7  }
0x7b: {  	v22 =	vnsel vm9, $0x63, v22;
	v8 =	vnsel vm1, $0x63, v8;
	v7 =	vshll.u32 v7, $0x7  }
0x7c: {  	v9 =	vnsel vm2, $0x63, v9;
	v22 =	vshll.u32 v22, $0x7;
	v7 =	vor.u32 v1, v7  }
0x7d: {  	v10 =	vnsel vm10, $0x63, v10;
	v8 =	vshll.u32 v8, $0x7;
	v22 =	vor.u32 v1, v22  }
0x7e: {  	v12 =	vnsel vm12, $0x63, v12;
	v9 =	vshll.u32 v9, $0x7;
	v8 =	vor.u32 v1, v8  }
0x7f: {  	v13 =	vnsel vm13, $0x63, v13;
	v10 =	vshll.u32 v10, $0x7;
	v9 =	vor.u32 v1, v9  }
0x80: {  	v14 =	vnsel vm14, $0x63, v14;
	v12 =	vshll.u32 v12, $0x7;
	v10 =	vor.u32 v1, v10  }
0x81: {  	v15 =	vnsel vm15, $0x63, v15;
	v13 =	vshll.u32 v13, $0x7;
	v12 =	vor.u32 v1, v12;
	[tilespmem:v7+s13+$0x0] =	vst.idx.add.f32.msk $0xffff, v2  }
0x82: {  	vm15 =	vlt.s32 v25, $0x63;
	v14 =	vshll.u32 v14, $0x7;
	v13 =	vor.u32 v1, v13;
	[tilespmem:v22+s13+$0x0] =	vst.idx.add.f32.msk $0xffff, v2  }
0x83: {  	v37 =	vcvt.f32.s32 v37;
	v25 =	vnsel vm15, $0x63, v25;
	v14 =	vor.u32 v1, v14;
	[tilespmem:v8+s13+$0x0] =	vst.idx.add.f32.msk $0xffff, v2  }
0x84: {  	vm11 =	vlt.s32 v11, $0x63;
	vm5 =	vlt.s32 v17, $0x63;
	v25 =	vshll.u32 v25, $0x7;
	[tilespmem:v9+s13+$0x0] =	vst.idx.add.f32.msk $0xffff, v2  }
0x85: {  	v11 =	vnsel vm11, $0x63, v11;
	v25 =	vor.u32 v1, v25;
	v8 =	vshll.u32 v15, $0x7;
	[tilespmem:v10+s13+$0x0] =	vst.idx.add.f32.msk $0xffff, v2  }
0x86: {  	v17 =	vnsel vm5, $0x63, v17;
	v7 =	vshll.u32 v11, $0x7;
	[tilespmem:v12+s13+$0x0] =	vst.idx.add.f32.msk $0xffff, v2;
	v8 =	vor.u32 v1, v8  }
0x87: {  	s31 =	sshll.u32 s29, $0xE;
	vm6 =	vlt.s32 v18, $0x63;
	v10 =	vshll.u32 v17, $0x7;
	[tilespmem:v13+s13+$0x0] =	vst.idx.add.f32.msk $0xffff, v2;
	v7 =	vor.u32 v1, v7  }
0x88: {  	s29 =	sor.u32 $0x10100, s31;
	vm9 =	vlt.s32 v21, $0x63;
	v9 =	vnsel vm6, $0x63, v18;
	[tilespmem:v14+s13+$0x0] =	vst.idx.add.f32.msk $0xffff, v2;
	v10 =	vor.u32 v1, v10  }
0x89: {  	vm4 =	vlt.s32 v16, $0x63;
	v13 =	vnsel vm9, $0x63, v21;
	v11 =	vld [tilespmem:s29+$0x70];
	v9 =	vshll.u32 v9, $0x7  }
0x8a: {  	vm7 =	vlt.s32 v19, $0x63;
	v13 =	vshll.u32 v13, $0x7;
	[tilespmem:v25+s13+$0x0] =	vst.idx.add.f32.msk $0xffff, v2;
	v9 =	vor.u32 v1, v9  }
0x8b: {  	vm8 =	vlt.s32 v20, $0x63;
	v16 =	vnsel vm4, $0x63, v16;
	[tilespmem:v8+s13+$0x0] =	vst.idx.add.f32.msk $0xffff, v2;
	v8 =	vor.u32 v1, v13  }
0x8c: {  	vm14 =	vlt.s32 v38, $0x63;
	vm4 =	vlt.s32 v26, $0x63;
	[tilespmem:v7+s13+$0x0] =	vst.idx.add.f32.msk $0xffff, v2;
	v7 =	vnsel vm7, $0x63, v19  }
0x8d: {  	vm5 =	vlt.s32 v27, $0x63;
	v38 =	vnsel vm14, $0x63, v38;
	[tilespmem:v10+s13+$0x0] =	vst.idx.add.f32.msk $0xffff, v2;
	v7 =	vshll.u32 v7, $0x7  }
0x8e: {  	v26 =	vnsel vm4, $0x63, v26;
	v12 =	vnsel vm8, $0x63, v20;
	v10 =	vld [tilespmem:s29+$0xFFFFFFA0];
	v7 =	vor.u32 v1, v7  }
0x8f: {  	v27 =	vnsel vm5, $0x63, v27;
	vm14 =	vlt.s32 v35, $0x63;
	v12 =	vshll.u32 v12, $0x7;
	[tilespmem:v9+s13+$0x0] =	vst.idx.add.f32.msk $0xffff, v2  }
0x90: {  	vm15 =	vlt.s32 v36, $0x63;
	vm4 =	vlt.s32 v37, $0x63;
	v12 =	vor.u32 v1, v12;
	[tilespmem:v8+s13+$0x0] =	vst.idx.add.f32.msk $0xffff, v2  }
0x91: {  	v35 =	vnsel vm14, $0x63, v35;
	v36 =	vnsel vm15, $0x63, v36;
	v37 =	vnsel vm4, $0x63, v37;
	v8 =	vld [tilespmem:s29+$0xFFFFFF80]  }
0x92: {  	v38 =	vshll.u32 v38, $0x7;
	v26 =	vshll.u32 v26, $0x7;
	v27 =	vshll.u32 v27, $0x7;
	v9 =	vld [tilespmem:s29+$0xFFFFFF90]  }
0x93: {  	v38 =	vor.u32 v1, v38;
	v56 =	vshll.u32 v35, $0x7;
	[tilespmem:v7+s13+$0x0] =	vst.idx.add.f32.msk $0xffff, v2;
	v7 =	vmul.f32 v11, v6  }
0x94: {  	v26 =	vor.u32 v1, v26;
	v27 =	vor.u32 v1, v27;
	v57 =	vshll.u32 v37, $0x7;
	v23 =	vld [tilespmem:s29+$0x30]  }
0x95: {  	v15 =	vshll.u32 v16, $0x7;
	vm6 =	vlt.s32 v29, $0x63;
	[tilespmem:v12+s13+$0x0] =	vst.idx.add.f32.msk $0xffff, v2;
	v7 =	vsub.f32 v7, v5  }
0x96: {  	v15 =	vor.u32 v1, v15;
	v29 =	vnsel vm6, $0x63, v29;
	v12 =	vld [tilespmem:s29+$0xFFFFFFC0];
	v8 =	vmul.f32 v8, v6  }
0x97: {  	v25 =	vor.u32 v1, v57;
	v29 =	vshll.u32 v29, $0x7;
	v11 =	vld [tilespmem:s29+$0xFFFFFFB0];
	v7 =	vtrunc.f32 v7  }
0x98: {  	v14 =	vld [tilespmem:s29+$0xFFFFFFE0];
	v10 =	vmul.f32 v10, v6;
	v7 =	vcvt.f32.s32 v7;
	v8 =	vsub.f32 v8, v5  }
0x99: {  	v29 =	vor.u32 v1, v29;
	v9 =	vmul.f32 v9, v6;
	v23 =	vmul.f32 v23, v6  }
0x9a: {  	v13 =	vld [tilespmem:s29+$0xFFFFFFD0];
	vm10 =	vlt.s32 v7, $0x63;
	v20 =	vtrunc.f32 v8;
	v8 =	vsub.f32 v10, v5  }
0x9b: {  	v10 =	vmul.f32 v12, v6;
	v16 =	vnsel vm10, $0x63, v7;
	v7 =	vsub.f32 v9, v5  }
0x9c: {  	[tilespmem:v15+s13+$0x0] =	vst.idx.add.f32.msk $0xffff, v2;
	v9 =	vmul.f32 v11, v6;
	v20 =	vcvt.f32.s32 v20;
	vm10 =	vlt.s32 v32, $0x63  }
0x9d: {  	v15 =	vld [tilespmem:s29+$0xFFFFFFF0];
	v22 =	vtrunc.f32 v8;
	v8 =	vsub.f32 v10, v5;
	v10 =	vmul.f32 v14, v6  }
0x9e: {  	v12 =	vld [tilespmem:s29+$0x10];
	v16 =	vshll.u32 v16, $0x7;
	v32 =	vnsel vm10, $0x63, v32;
	v21 =	vtrunc.f32 v7  }
0x9f: {  	v11 =	vld [tilespmem:s29+$0x0];
	v7 =	vsub.f32 v9, v5;
	v9 =	vmul.f32 v13, v6;
	v16 =	vor.u32 v1, v16  }
0xa0: {  	v22 =	vcvt.f32.s32 v22;
	vm12 =	vlt.s32 v20, $0x63;
	v32 =	vshll.u32 v32, $0x7  }
0xa1: {  	v18 =	vtrunc.f32 v8;
	v8 =	vsub.f32 v10, v5;
	v21 =	vcvt.f32.s32 v21  }
0xa2: {  	v14 =	vld [tilespmem:s30+$0x70];
	v20 =	vnsel vm12, $0x63, v20;
	v32 =	vor.u32 v1, v32;
	v17 =	vtrunc.f32 v7  }
0xa3: {  	v13 =	vld [tilespmem:s29+$0x20];
	v7 =	vsub.f32 v9, v5;
	v9 =	vmul.f32 v15, v6;
	v12 =	vmul.f32 v12, v6  }
0xa4: {  	vm1 =	vlt.s32 v22, $0x63;
	v18 =	vcvt.f32.s32 v18;
	v10 =	vmul.f32 v11, v6  }
0xa5: {  	vm0 =	vlt.s32 v21, $0x63;
	v17 =	vcvt.f32.s32 v17;
	v22 =	vnsel vm1, $0x63, v22  }
0xa6: {  	v19 =	vtrunc.f32 v7;
	v9 =	vsub.f32 v9, v5;
	v7 =	vtrunc.f32 v8  }
0xa7: {  	v15 =	vld [tilespmem:s29+$0x40];
	v14 =	vmul.f32 v14, v4;
	v12 =	vsub.f32 v12, v5;
	v21 =	vnsel vm0, $0x63, v21  }
0xa8: {  	v11 =	vld [tilespmem:s29+$0x50];
	vm5 =	vlt.s32 v18, $0x63;
	v10 =	vsub.f32 v10, v5;
	v13 =	vmul.f32 v13, v6  }
0xa9: {  	v19 =	vcvt.f32.s32 v19;
	vm3 =	vlt.s32 v17, $0x63;
	v7 =	vcvt.f32.s32 v7  }
0xaa: {  	v18 =	vnsel vm5, $0x63, v18;
	v8 =	vtrunc.f32 v9;
	v14 =	vsub.f32 v14, v3  }
0xab: {  	v17 =	vnsel vm3, $0x63, v17;
	v18 =	vshll.u32 v18, $0x7;
	v9 =	vtrunc.f32 v10  }
0xac: {  	v24 =	vld [tilespmem:s29+$0x60];
	v13 =	vsub.f32 v13, v5;
	v15 =	vmul.f32 v15, v6;
	v10 =	vtrunc.f32 v12  }
0xad: {  	v12 =	vsub.f32 v23, v5;
	v8 =	vcvt.f32.s32 v8;
	v28 =	vmul.f32 v11, v6  }
0xae: {  	vm6 =	vlt.s32 v19, $0x63;
	v11 =	vtrunc.f32 v13;
	v13 =	vtrunc.f32 v14  }
0xaf: {  	v17 =	vshll.u32 v17, $0x7;
	v9 =	vcvt.f32.s32 v9;
	v30 =	vcvt.f32.s32 v13  }
0xb0: {  	v10 =	vcvt.f32.s32 v10;
	v19 =	vnsel vm6, $0x63, v19;
	v14 =	vsub.f32 v15, v5  }
0xb1: {  	v23 =	vld [tilespmem:s30+$0xFFFFFFD0];
	v15 =	vmul.f32 v24, v6;
	v12 =	vtrunc.f32 v12;
	vm11 =	vlt.s32 v30, $0x63  }
0xb2: {  	v19 =	vshll.u32 v19, $0x7;
	v28 =	vsub.f32 v28, v5;
	v30 =	vnsel vm11, $0x63, v30  }
0xb3: {  	v24 =	vld [tilespmem:s30+$0xFFFFFFE0];
	v11 =	vcvt.f32.s32 v11;
	v12 =	vcvt.f32.s32 v12;
	v30 =	vshll.u32 v30, $0x7  }
0xb4: {  	vm10 =	vlt.s32 v10, $0x63;
	v19 =	vor.u32 v1, v19;
	v30 =	vor.u32 v1, v30  }
0xb5: {  	v13 =	vtrunc.f32 v14;
	v15 =	vsub.f32 v15, v5;
	v14 =	vtrunc.f32 v28  }
0xb6: {  	v10 =	vnsel vm10, $0x63, v10;
	v23 =	vmul.f32 v23, v4;
	v13 =	vcvt.f32.s32 v13  }
0xb7: {  	v10 =	vshll.u32 v10, $0x7;
	v15 =	vtrunc.f32 v15;
	vm11 =	vlt.s32 v33, $0x63  }
0xb8: {  	v28 =	vld [tilespmem:s30+$0x20];
	v14 =	vcvt.f32.s32 v14;
	v24 =	vmul.f32 v24, v4;
	v23 =	vsub.f32 v23, v3  }
0xb9: {  	s26 =	sadd.s32 $0x100, s29;
	v33 =	vnsel vm11, $0x63, v33;
	v15 =	vcvt.f32.s32 v15;
	vm11 =	vlt.s32 v11, $0x63;
	[tilespmem:v30+s13+$0x0] =	vst.idx.add.f32.msk $0xffff, v2  }
0xba: {  	v33 =	vshll.u32 v33, $0x7;
	v11 =	vnsel vm11, $0x63, v11;
	v30 =	vsub.f32 v31, v3;
	v31 =	vld [tilespmem:s26+$0x70]  }
0xbb: {  	vm14 =	vlt.s32 v14, $0x63;
	v24 =	vsub.f32 v24, v3;
	v23 =	vtrunc.f32 v23  }
0xbc: {  	v33 =	vor.u32 v1, v33;
	vm15 =	vlt.s32 v15, $0x63;
	v14 =	vnsel vm14, $0x63, v14  }
0xbd: {  	v11 =	vshll.u32 v11, $0x7;
	v28 =	vmul.f32 v28, v4;
	v23 =	vcvt.f32.s32 v23  }
0xbe: {  	v15 =	vnsel vm15, $0x63, v15;
	v14 =	vshll.u32 v14, $0x7;
	v11 =	vor.u32 v1, v11  }
0xbf: {  	[tilespmem:v25+s13+$0x0] =	vst.idx.add.f32.msk $0xffff, v2;
	v24 =	vtrunc.f32 v24;
	v25 =	vshll.u32 v15, $0x7;
	v31 =	vmul.f32 v31, v6  }
0xc0: {  	v28 =	vsub.f32 v28, v3;
	v24 =	vcvt.f32.s32 v24;
	vm7 =	vlt.s32 v23, $0x63  }
0xc1: {  	[tilespmem:v38+s13+$0x0] =	vst.idx.add.f32.msk $0xffff, v2;
	v23 =	vnsel vm7, $0x63, v23;
	vm7 =	vlt.s32 v7, $0x63;
	v31 =	vsub.f32 v31, v5  }
0xc2: {  	[tilespmem:v26+s13+$0x0] =	vst.idx.add.f32.msk $0xffff, v2;
	v28 =	vtrunc.f32 v28;
	vm8 =	vlt.s32 v24, $0x63;
	v23 =	vshll.u32 v23, $0x7  }
0xc3: {  	[tilespmem:v27+s13+$0x0] =	vst.idx.add.f32.msk $0xffff, v2;
	v7 =	vnsel vm7, $0x63, v7;
	v30 =	vtrunc.f32 v30;
	v31 =	vtrunc.f32 v31  }
0xc4: {  	v26 =	vld [tilespmem:s26+$0xFFFFFFA0];
	v24 =	vnsel vm8, $0x63, v24;
	v28 =	vcvt.f32.s32 v28;
	v31 =	vcvt.f32.s32 v31  }
0xc5: {  	v27 =	vld [tilespmem:s26+$0xFFFFFFB0];
	v23 =	vor.u32 v1, v23;
	vm8 =	vlt.s32 v8, $0x63;
	v24 =	vshll.u32 v24, $0x7  }
0xc6: {  	[tilespmem:v29+s13+$0x0] =	vst.idx.add.f32.msk $0xffff, v2;
	vm12 =	vlt.s32 v28, $0x63;
	v24 =	vor.u32 v1, v24;
	vm13 =	vlt.s32 v31, $0x63  }
0xc7: {  	[tilespmem:v16+s17+$0x0] =	vst.idx.add.f32.msk $0xffff, v2;
	v28 =	vnsel vm12, $0x63, v28;
	v31 =	vnsel vm13, $0x63, v31;
	vm13 =	vlt.s32 v34, $0x63  }
0xc8: {  	[tilespmem:v32+s13+$0x0] =	vst.idx.add.f32.msk $0xffff, v2;
	v30 =	vcvt.f32.s32 v30;
	v28 =	vshll.u32 v28, $0x7;
	v34 =	vnsel vm13, $0x63, v34  }
0xc9: {  	[tilespmem:v33+s13+$0x0] =	vst.idx.add.f32.msk $0xffff, v2;
	v7 =	vshll.u32 v7, $0x7;
	v28 =	vor.u32 v1, v28;
	v16 =	vshll.u32 v34, $0x7  }
0xca: {  	v33 =	vld [tilespmem:s26+$0x10];
	v8 =	vnsel vm8, $0x63, v8;
	vm9 =	vlt.s32 v30, $0x63;
	v16 =	vor.u32 v1, v16  }
0xcb: {  	vm12 =	vlt.s32 v12, $0x63;
	v30 =	vnsel vm9, $0x63, v30;
	[tilespmem:v23+s13+$0x0] =	vst.idx.add.f32.msk $0xffff, v2;
	v31 =	vshll.u32 v31, $0x7  }
0xcc: {  	vm9 =	vlt.s32 v9, $0x63;
	v12 =	vnsel vm12, $0x63, v12;
	[tilespmem:v24+s13+$0x0] =	vst.idx.add.f32.msk $0xffff, v2;
	v31 =	vor.u32 v1, v31  }
0xcd: {  	v30 =	vshll.u32 v30, $0x7;
	v9 =	vnsel vm9, $0x63, v9;
	v12 =	vshll.u32 v12, $0x7;
	v24 =	vld [tilespmem:s26+$0xFFFFFF90]  }
0xce: {  	v30 =	vor.u32 v1, v30;
	v9 =	vshll.u32 v9, $0x7;
	[tilespmem:v28+s13+$0x0] =	vst.idx.add.f32.msk $0xffff, v2;
	vm13 =	vlt.s32 v13, $0x63  }
0xcf: {  	v33 =	vmul.f32 v33, v6;
	v15 =	vor.u32 v1, v9;
	v13 =	vnsel vm13, $0x63, v13;
	[tilespmem:v16+s13+$0x0] =	vst.idx.add.f32.msk $0xffff, v2  }
0xd0: {  	v16 =	vshll.u32 v20, $0x7;
	v20 =	vshll.u32 v21, $0x7;
	v21 =	vshll.u32 v22, $0x7;
	v22 =	vld [tilespmem:s26+$0xFFFFFF80]  }
0xd1: {  	v23 =	vshll.u32 v13, $0x7;
	v13 =	vor.u32 v1, v10;
	[tilespmem:v31+s17+$0x0] =	vst.idx.add.f32.msk $0xffff, v2;
	v31 =	vshll.u32 v36, $0x7  }
0xd2: {  	v29 =	vld [tilespmem:s26+$0xFFFFFFD0];
	v10 =	vor.u32 v1, v12;
	v12 =	vmul.f32 v24, v6;
	v31 =	vor.u32 v1, v31  }
0xd3: {  	v8 =	vshll.u32 v8, $0x7;
	[tilespmem:v30+s13+$0x0] =	vst.idx.add.f32.msk $0xffff, v2;
	v34 =	vor.u32 v1, v56;
	v24 =	vmul.f32 v26, v6  }
0xd4: {  	v28 =	vld [tilespmem:s26+$0xFFFFFFC0];
	v9 =	vor.u32 v1, v23;
	v12 =	vsub.f32 v12, v5;
	v58 =	vor.u32 v1, v20  }
0xd5: {  	v30 =	vld [tilespmem:s26+$0xFFFFFFF0];
	v20 =	vor.u32 v1, v18;
	v18 =	vor.u32 v1, v7;
	v7 =	vmul.f32 v22, v6  }
0xd6: {  	v23 =	vld [tilespmem:s26+$0xFFFFFFE0];
	v59 =	vor.u32 v1, v21;
	v21 =	vor.u32 v1, v17;
	v17 =	vor.u32 v1, v8  }
0xd7: {  	v8 =	vor.u32 v1, v14;
	[tilespmem:v31+s13+$0x0] =	vst.idx.add.f32.msk $0xffff, v2;
	v14 =	vsub.f32 v7, v5  }
0xd8: {  	v16 =	vor.u32 v1, v16;
	v31 =	vld [tilespmem:s26+$0x0];
	v7 =	vor.u32 v1, v25;
	v25 =	vmul.f32 v27, v6  }
0xd9: {  	v60 =	vld [tilespmem:s26+$0x20];
	v22 =	vtrunc.f32 v14;
	v14 =	vsub.f32 v24, v5;
	v24 =	vmul.f32 v28, v6  }
0xda: {  	[tilespmem:v34+s13+$0x0] =	vst.idx.add.f32.msk $0xffff, v2;
	v27 =	vtrunc.f32 v12;
	v12 =	vsub.f32 v25, v5;
	v25 =	vmul.f32 v29, v6  }
0xdb: {  	v23 =	vmul.f32 v23, v6;
	v61 =	vld [tilespmem:s26+$0x30];
	v29 =	vtrunc.f32 v14;
	v14 =	vsub.f32 v24, v5  }
0xdc: {  	v62 =	vld [tilespmem:s26+$0x40];
	v26 =	vtrunc.f32 v12;
	v12 =	vsub.f32 v25, v5;
	v25 =	vmul.f32 v30, v6  }
0xdd: {  	[tilespmem:v16+s17+$0x0] =	vst.idx.add.f32.msk $0xffff, v2;
	v28 =	vtrunc.f32 v14;
	v14 =	vsub.f32 v23, v5;
	v23 =	vmul.f32 v31, v6  }
0xde: {  	p1 =	por !p1, p0;
	s0 =	sadd.s32 @!p2 $0x1, s19;
	v35 =	vmul.f32 v60, v6;
	[tilespmem:v58+s17+$0x0] =	vst.idx.add.f32.msk $0xffff, v2;
	v31 =	vsub.f32 v25, v5  }
0xdf: {  	s28 =	smov.u32 s19;
	s19 =	smov.u32 @p1 s0;
	s29 =	simm.s32 $0x0;
	[tilespmem:v59+s17+$0x0] =	vst.idx.add.f32.msk $0xffff, v2;
	v30 =	vtrunc.f32 v12;
	v12 =	vtrunc.f32 v14;
	v63 =	vsub.f32 v23, v5  }
0xe0: {  	s19 =	smov.u32 @p0 s28;
	s29 =	simm.s32 @p1 $0x1;
	v32 =	vsub.f32 v35, v5;
	v24 =	vld [tilespmem:s26+$0x50];
	v14 =	vtrunc.f32 v31;
	v31 =	vmul.f32 v61, v6  }
0xe1: {  	s28 =	simm.s32 $0x100;
	s29 =	simm.s32 @p0 $0x0;
	s30 =	sadd.s32 $0x100, s30;
	v25 =	vld [tilespmem:s26+$0x60];
	v23 =	vsub.f32 v33, v5;
	v33 =	vmul.f32 v62, v6;
	v16 =	vtrunc.f32 v63  }
.LBB2_5:
0xe2: {  	v34 =	vld [tilespmem:s30+$0x70]  }
0xe3: {  	v36 =	vld [tilespmem:s30+$0xFFFFFF90]  }
0xe4: {  	v38 =	vld [tilespmem:s30+$0xFFFFFFA0]  }
0xe5: {  	v39 =	vcvt.f32.s32 v22;
	v40 =	vld [tilespmem:s30+$0xFFFFFFD0]  }
0xe6: {  	v22 =	vcvt.f32.s32 v29;
	v57 =	vld [tilespmem:s30+$0xFFFFFFE0];
	v26 =	vcvt.f32.s32 v26  }
0xe7: {  	v58 =	vld [tilespmem:s30+$0xFFFFFFF0];
	v28 =	vcvt.f32.s32 v28;
	v30 =	vcvt.f32.s32 v30  }
0xe8: {  	v42 =	vld [tilespmem:s30+$0x0];
	v12 =	vcvt.f32.s32 v12;
	v14 =	vcvt.f32.s32 v14  }
0xe9: {  	v43 =	vld [tilespmem:s30+$0x10];
	v16 =	vcvt.f32.s32 v16;
	v23 =	vtrunc.f32 v23;
	v31 =	vsub.f32 v31, v5  }
0xea: {  	v44 =	vld [tilespmem:s30+$0x20];
	v33 =	vsub.f32 v33, v5;
	v35 =	vmul.f32 v24, v6;
	v24 =	vtrunc.f32 v32  }
0xeb: {  	v45 =	vld [tilespmem:s30+$0x30];
	v37 =	vmul.f32 v25, v6;
	v25 =	vtrunc.f32 v31  }
0xec: {  	v41 =	vimm.s32 $0x0;
	v46 =	vld [tilespmem:s30+$0x40];
	v32 =	vcvt.f32.s32 v27;
	v27 =	vtrunc.f32 v33  }
0xed: {  	v47 =	vld [tilespmem:s30+$0x50];
	vm9 =	vlt.s32 v22, $0x63;
	v34 =	vmul.f32 v34, v4;
	v56 =	vmul.f32 v36, v4  }
0xee: {  	v48 =	vld [tilespmem:s30+$0x60];
	v41 =	vsel vm9, $0xFFFFFFFF, v41;
	v38 =	vmul.f32 v38, v4;
	v40 =	vmul.f32 v40, v4  }
0xef: {  	v49 =	vld [tilespmem:s30+$0xFFFFFF80];
	[tilespmem:$0x1FFE0] =	vst v41;
	v36 =	vmul.f32 v57, v4;
	v41 =	vmul.f32 v58, v4  }
0xf0: {  	v53 =	vld [tilespmem:s30+$0xFFFFFFB0];
	v42 =	vmul.f32 v42, v4;
	v43 =	vmul.f32 v43, v4  }
0xf1: {  	v55 =	vld [tilespmem:s30+$0xFFFFFFC0];
	v44 =	vmul.f32 v44, v4;
	v45 =	vmul.f32 v45, v4  }
0xf2: {  	[tilespmem:v18+s17+$0x0] =	vst.idx.add.f32.msk $0xffff, v2;
	v60 =	vmul.f32 v46, v4;
	v62 =	vmul.f32 v47, v4  }
0xf3: {  	v48 =	vmul.f32 v48, v4;
	v31 =	vsub.f32 v35, v5;
	v54 =	vsub.f32 v37, v5  }
0xf4: {  	v18 =	vmul.f32 v49, v4;
	v34 =	vsub.f32 v34, v3;
	v33 =	vsub.f32 v56, v3  }
0xf5: {  	vm0 =	vlt.s32 v32, $0x63;
	v38 =	vsub.f32 v38, v3;
	v40 =	vsub.f32 v40, v3  }
0xf6: {  	v35 =	vmul.f32 v53, v4;
	v36 =	vsub.f32 v36, v3;
	v41 =	vsub.f32 v41, v3  }
0xf7: {  	v37 =	vmul.f32 v55, v4;
	v42 =	vsub.f32 v42, v3;
	v43 =	vsub.f32 v43, v3  }
0xf8: {  	v61 =	vsub.f32 v45, v3;
	v63 =	vsub.f32 v60, v3;
	v29 =	vtrunc.f32 v31  }
0xf9: {  	v45 =	vsub.f32 v62, v3;
	v34 =	vtrunc.f32 v34;
	v33 =	vtrunc.f32 v33  }
0xfa: {  	[tilespmem:v19+s17+$0x0] =	vst.idx.add.f32.msk $0xffff, v2;
	v18 =	vsub.f32 v18, v3;
	v38 =	vtrunc.f32 v38;
	v19 =	vtrunc.f32 v40  }
0xfb: {  	v31 =	vimm.s32 $0x0;
	v36 =	vtrunc.f32 v36;
	v49 =	vtrunc.f32 v41  }
0xfc: {  	[tilespmem:v21+s17+$0x0] =	vst.idx.add.f32.msk $0xffff, v2;
	v35 =	vsub.f32 v35, v3;
	v50 =	vtrunc.f32 v42;
	v43 =	vtrunc.f32 v43  }
0xfd: {  	[tilespmem:v17+s17+$0x0] =	vst.idx.add.f32.msk $0xffff, v2;
	v37 =	vsub.f32 v37, v3;
	v17 =	vtrunc.f32 v61;
	v53 =	vtrunc.f32 v63  }
0xfe: {  	[tilespmem:v15+s17+$0x0] =	vst.idx.add.f32.msk $0xffff, v2;
	v31 =	vsel vm0, $0xFFFFFFFF, v31;
	v15 =	vtrunc.f32 v18;
	v18 =	vtrunc.f32 v45  }
0xff: {  	v59 =	vsub.f32 v44, v3;
	[tilespmem:$0x1FFD0] =	vst v31;
	v31 =	vtrunc.f32 v54;
	v34 =	vcvt.f32.s32 v34  }
0x100: {  	[tilespmem:v20+s17+$0x0] =	vst.idx.add.f32.msk $0xffff, v2;
	v51 =	vsub.f32 v48, v3;
	v21 =	vtrunc.f32 v35;
	v20 =	vtrunc.f32 v37  }
0x101: {  	[tilespmem:v13+s17+$0x0] =	vst.idx.add.f32.msk $0xffff, v2;
	vm5 =	vlt.s32 v39, $0x63;
	v35 =	vtrunc.f32 v59;
	v13 =	vcvt.f32.s32 v15  }
0x102: {  	[tilespmem:v10+s17+$0x0] =	vst.idx.add.f32.msk $0xffff, v2;
	vm10 =	vlt.s32 v26, $0x63;
	v15 =	vtrunc.f32 v51;
	v33 =	vcvt.f32.s32 v33  }
0x103: {  	[tilespmem:v8+s17+$0x0] =	vst.idx.add.f32.msk $0xffff, v2;
	vm3 =	vlt.s32 v28, $0x63;
	v10 =	vcvt.f32.s32 v38;
	v19 =	vcvt.f32.s32 v19  }
0x104: {  	[tilespmem:v7+s17+$0x0] =	vst.idx.add.f32.msk $0xffff, v2;
	vm4 =	vlt.s32 v30, $0x63;
	v8 =	vcvt.f32.s32 v36;
	v7 =	vcvt.f32.s32 v50  }
0x105: {  	[tilespmem:v11+s17+$0x0] =	vst.idx.add.f32.msk $0xffff, v2;
	v11 =	vnsel vm5, $0x63, v39;
	v56 =	vcvt.f32.s32 v43;
	v17 =	vcvt.f32.s32 v17  }
0x106: {  	v11 =	vshll.u32 v11, $0x7;
	v37 =	vcvt.f32.s32 v53;
	v18 =	vcvt.f32.s32 v18  }
0x107: {  	[tilespmem:v9+s17+$0x0] =	vst.idx.add.f32.msk $0xffff, v2;
	v54 =	vimm.s32 $0x0;
	v21 =	vcvt.f32.s32 v21;
	v9 =	vcvt.f32.s32 v20  }
0x108: {  	v40 =	vsel vm10, $0xFFFFFFFF, v54;
	v35 =	vcvt.f32.s32 v35;
	v15 =	vcvt.f32.s32 v15  }
0x109: {  	vm2 =	vlt.s32 v34, $0x63;
	vm5 =	vlt.s32 v13, $0x63;
	vm6 =	vlt.s32 v33, $0x63  }
0x10a: {  	vm7 =	vlt.s32 v10, $0x63;
	vm11 =	vlt.s32 v19, $0x63;
	vm13 =	vlt.s32 v7, $0x63  }
0x10b: {  	vm14 =	vlt.s32 v56, $0x63;
	vm0 =	vlt.s32 v17, $0x63;
	vm1 =	vlt.s32 v37, $0x63  }
0x10c: {  	v34 =	vnsel vm2, $0x63, v34;
	vm8 =	vlt.s32 v21, $0x63;
	vm9 =	vlt.s32 v9, $0x63  }
0x10d: {  	vm15 =	vlt.s32 v35, $0x63;
	v13 =	vnsel vm5, $0x63, v13;
	v34 =	vshll.u32 v34, $0x7  }
0x10e: {  	vm5 =	vlt.s32 v18, $0x63;
	vm2 =	vlt.s32 v15, $0x63;
	v34 =	vor.u32 v1, v34  }
0x10f: {  	v33 =	vnsel vm6, $0x63, v33;
	v10 =	vnsel vm7, $0x63, v10;
	v19 =	vnsel vm11, $0x63, v19  }
0x110: {  	v7 =	vnsel vm13, $0x63, v7;
	v36 =	vnsel vm14, $0x63, v56;
	v17 =	vnsel vm0, $0x63, v17  }
0x111: {  	v57 =	vnsel vm1, $0x63, v37;
	vm0 =	vlt.s32 v12, $0x63;
	vm1 =	vlt.s32 v14, $0x63  }
0x112: {  	v21 =	vnsel vm8, $0x63, v21;
	v9 =	vnsel vm9, $0x63, v9;
	v13 =	vshll.u32 v13, $0x7  }
0x113: {  	s26 =	sadd.s32 $0x100, s26;
	v18 =	vnsel vm5, $0x63, v18;
	v15 =	vnsel vm2, $0x63, v15;
	v33 =	vshll.u32 v33, $0x7;
	[tilespmem:v34+s13+$0x0] =	vst.idx.add.f32.msk $0xffff, v2  }
0x114: {  	v10 =	vshll.u32 v10, $0x7;
	v19 =	vshll.u32 v19, $0x7;
	v13 =	vor.u32 v1, v13;
	v52 =	vld [tilespmem:s26+$0x70]  }
0x115: {  	v7 =	vshll.u32 v7, $0x7;
	v36 =	vshll.u32 v36, $0x7;
	v33 =	vor.u32 v1, v33  }
0x116: {  	v17 =	vshll.u32 v17, $0x7;
	vm2 =	vlt.s32 v16, $0x63;
	v12 =	vnsel vm0, $0x63, v12  }
0x117: {  	v14 =	vnsel vm1, $0x63, v14;
	v21 =	vshll.u32 v21, $0x7;
	v10 =	vor.u32 v1, v10  }
0x118: {  	v9 =	vshll.u32 v9, $0x7;
	v19 =	vor.u32 v1, v19;
	v7 =	vor.u32 v1, v7  }
0x119: {  	v18 =	vshll.u32 v18, $0x7;
	v21 =	vor.u32 v1, v21;
	[tilespmem:v13+s13+$0x0] =	vst.idx.add.f32.msk $0xffff, v2;
	v55 =	vmul.f32 v52, v6  }
0x11a: {  	v15 =	vshll.u32 v15, $0x7;
	v36 =	vor.u32 v1, v36;
	v9 =	vor.u32 v1, v9;
	[tilespmem:v33+s13+$0x0] =	vst.idx.add.f32.msk $0xffff, v2  }
0x11b: {  	[tilespmem:$0x1FFF0] =	vst v40;
	v17 =	vor.u32 v1, v17;
	v13 =	vor.u32 v1, v18;
	v18 =	vld [tilespmem:$0x1FFD0];
	v20 =	vsub.f32 v55, v5  }
0x11c: {  	v16 =	vnsel vm2, $0x63, v16;
	v34 =	vcvt.f32.s32 v49;
	[tilespmem:v10+s13+$0x0] =	vst.idx.add.f32.msk $0xffff, v2;
	v10 =	vcvt.f32.s32 v23  }
0x11d: {  	v12 =	vshll.u32 v12, $0x7;
	v23 =	vcvt.f32.s32 v24;
	[tilespmem:v7+s13+$0x0] =	vst.idx.add.f32.msk $0xffff, v2;
	v20 =	vtrunc.f32 v20  }
0x11e: {  	v15 =	vor.u32 v1, v15;
	v24 =	vcvt.f32.s32 v27;
	[tilespmem:v21+s13+$0x0] =	vst.idx.add.f32.msk $0xffff, v2;
	v20 =	vcvt.f32.s32 v20  }
0x11f: {  	v7 =	vnsel vm4, $0x63, v30;
	v21 =	vcvt.f32.s32 v25;
	[tilespmem:v9+s13+$0x0] =	vst.idx.add.f32.msk $0xffff, v2;
	v9 =	vcvt.f32.s32 v29  }
0x120: {  	[tilespmem:v19+s13+$0x0] =	vst.idx.add.f32.msk $0xffff, v2;
	v25 =	vcvt.f32.s32 v31;
	v7 =	vshll.u32 v7, $0x7;
	vm10 =	vlt.s32 v20, $0x63  }
0x121: {  	v19 =	vld [tilespmem:$0x1FFF0];
	v31 =	vor.u32 v1, v11;
	v20 =	vnsel vm10, $0x63, v20;
	vm10 =	vlt.s32 v8, $0x63  }
0x122: {  	[tilespmem:v17+s13+$0x0] =	vst.idx.add.f32.msk $0xffff, v2;
	vm12 =	vlt.s32 v34, $0x63;
	v20 =	vshll.u32 v20, $0x7;
	v8 =	vnsel vm10, $0x63, v8  }
0x123: {  	[tilespmem:v15+s13+$0x0] =	vst.idx.add.f32.msk $0xffff, v2;
	vm5 =	vlt.s32 v10, $0x63;
	v20 =	vor.u32 v1, v20;
	v8 =	vshll.u32 v8, $0x7  }
0x124: {  	v27 =	vld [tilespmem:s26+$0xFFFFFF90];
	vm6 =	vlt.s32 v23, $0x63;
	vm8 =	vlt.s32 v24, $0x63;
	v8 =	vor.u32 v1, v8  }
0x125: {  	v61 =	vld [tilespmem:s26+$0x30];
	v34 =	vnsel vm12, $0x63, v34;
	vm7 =	vlt.s32 v21, $0x63;
	vm12 =	vlt.s32 v9, $0x63  }
0x126: {  	vm13 =	vlt.s32 v25, $0x63;
	v10 =	vnsel vm5, $0x63, v10;
	v23 =	vnsel vm6, $0x63, v23;
	[tilespmem:v13+s13+$0x0] =	vst.idx.add.f32.msk $0xffff, v2  }
0x127: {  	v13 =	vshll.u32 v14, $0x7;
	v14 =	vshll.u32 v16, $0x7;
	v16 =	vshll.u32 v23, $0x7;
	v23 =	vld [tilespmem:s26+$0xFFFFFF80]  }
0x128: {  	v34 =	vshll.u32 v34, $0x7;
	v9 =	vnsel vm12, $0x63, v9;
	vm11 =	vnez.u8 v18;
	[tilespmem:v20+s17+$0x0] =	vst.idx.add.f32.msk $0xffff, v2  }
0x129: {  	v10 =	vshll.u32 v10, $0x7;
	v34 =	vor.u32 v1, v34;
	v18 =	vnsel vm11, $0x63, v32;
	[tilespmem:v8+s13+$0x0] =	vst.idx.add.f32.msk $0xffff, v2  }
0x12a: {  	v15 =	vor.u32 v1, v14;
	v11 =	vor.u32 v1, v16;
	v20 =	vnsel vm15, $0x63, v35;
	v8 =	vld [tilespmem:$0x1FFE0]  }
0x12b: {  	[tilespmem:v31+s17+$0x0] =	vst.idx.add.f32.msk $0xffff, v2;
	v31 =	vmul.f32 v61, v6;
	v17 =	vshll.u32 v18, $0x7;
	v20 =	vshll.u32 v20, $0x7  }
0x12c: {  	[tilespmem:v36+s13+$0x0] =	vst.idx.add.f32.msk $0xffff, v2;
	v18 =	vnsel vm13, $0x63, v25;
	v14 =	vmul.f32 v23, v6;
	v20 =	vor.u32 v1, v20  }
0x12d: {  	v58 =	vor.u32 v1, v17;
	v17 =	vor.u32 v1, v13;
	v23 =	vmul.f32 v27, v6  }
0x12e: {  	v29 =	vld [tilespmem:s26+$0xFFFFFFA0];
	v13 =	vor.u32 v1, v10;
	v14 =	vsub.f32 v14, v5;
	v35 =	vshll.u32 v57, $0x7  }
0x12f: {  	v16 =	vld [tilespmem:s26+$0xFFFFFFD0];
	v23 =	vsub.f32 v23, v5;
	v35 =	vor.u32 v1, v35;
	vm14 =	vnez.u8 v8  }
0x130: {  	[tilespmem:v34+s13+$0x0] =	vst.idx.add.f32.msk $0xffff, v2;
	vm15 =	vnez.u8 v19;
	v8 =	vnsel vm14, $0x63, v22;
	v22 =	vnsel vm3, $0x63, v28  }
0x131: {  	v19 =	vnsel vm15, $0x63, v26;
	[tilespmem:v20+s13+$0x0] =	vst.idx.add.f32.msk $0xffff, v2;
	v20 =	vnsel vm7, $0x63, v21;
	v22 =	vshll.u32 v22, $0x7  }
0x132: {  	v21 =	vnsel vm8, $0x63, v24;
	v24 =	vshll.u32 v20, $0x7;
	v20 =	vor.u32 v1, v22;
	v22 =	vld [tilespmem:s26+$0xFFFFFFB0]  }
0x133: {  	v26 =	vshll.u32 v9, $0x7;
	v28 =	vshll.u32 v18, $0x7;
	v18 =	vor.u32 v1, v12;
	v12 =	vld [tilespmem:s26+$0xFFFFFFC0]  }
0x134: {  	v19 =	vshll.u32 v19, $0x7;
	[tilespmem:v35+s13+$0x0] =	vst.idx.add.f32.msk $0xffff, v2;
	v8 =	vshll.u32 v8, $0x7;
	v25 =	vshll.u32 v21, $0x7  }
0x135: {  	v21 =	vor.u32 v1, v19;
	v19 =	vor.u32 v1, v7;
	v10 =	vor.u32 v1, v24;
	v24 =	vld [tilespmem:s26+$0xFFFFFFE0]  }
0x136: {  	v7 =	vor.u32 v1, v28;
	v28 =	vld [tilespmem:s26+$0xFFFFFFF0];
	v9 =	vor.u32 v1, v25;
	v25 =	vmul.f32 v29, v6  }
0x137: {  	v30 =	vld [tilespmem:s26+$0x0];
	v59 =	vor.u32 v1, v8;
	v8 =	vor.u32 v1, v26;
	v26 =	vmul.f32 v22, v6  }
0x138: {  	v60 =	vld [tilespmem:s26+$0x20];
	v12 =	vmul.f32 v12, v6;
	v22 =	vtrunc.f32 v14;
	v14 =	vsub.f32 v25, v5  }
0x139: {  	v16 =	vmul.f32 v16, v6;
	v27 =	vtrunc.f32 v23;
	v25 =	vld [tilespmem:s26+$0x10];
	v23 =	vsub.f32 v26, v5  }
0x13a: {  	s28 =	sadd.s32 $0x100, s28;
	v62 =	vld [tilespmem:s26+$0x40];
	v12 =	vsub.f32 v12, v5;
	v29 =	vtrunc.f32 v14;
	v14 =	vmul.f32 v24, v6  }
0x13b: {  	p1 =	slt.u32 s28, $0x3F00;
	v16 =	vsub.f32 v16, v5;
	v26 =	vtrunc.f32 v23;
	v23 =	vmul.f32 v28, v6  }
.Ltmp1:
0x13c: {  	[tilespmem:v58+s17+$0x0] =	vst.idx.add.f32.msk $0xffff, v2;
	v28 =	vtrunc.f32 v12;
	v12 =	vsub.f32 v14, v5;
	v14 =	vmul.f32 v30, v6;
	(pc) =	sbr.rel @p1 .LBB2_5-.Ltmp1, $4  }
0x13d: {  	v33 =	vmul.f32 v60, v6;
	[tilespmem:v59+s17+$0x0] =	vst.idx.add.f32.msk $0xffff, v2;
	v30 =	vtrunc.f32 v16  }
0x13e: {  	v16 =	vsub.f32 v23, v5;
	v23 =	vmul.f32 v25, v6;
	v63 =	vsub.f32 v14, v5  }
0x13f: {  	v32 =	vsub.f32 v33, v5;
	v33 =	vmul.f32 v62, v6;
	v24 =	vld [tilespmem:s26+$0x50];
	v12 =	vtrunc.f32 v12  }
0x140: {  	s30 =	sadd.s32 $0x100, s30;
	v25 =	vld [tilespmem:s26+$0x60];
	v14 =	vtrunc.f32 v16;
	v23 =	vsub.f32 v23, v5;
	v16 =	vtrunc.f32 v63  }
0x141: {  	v32 =	vtrunc.f32 v32  }
0x142: {  	v22 =	vcvt.f32.s32 v22;
	v27 =	vcvt.f32.s32 v27  }
0x143: {  	v29 =	vcvt.f32.s32 v29;
	v26 =	vcvt.f32.s32 v26  }
0x144: {  	v28 =	vcvt.f32.s32 v28;
	v30 =	vcvt.f32.s32 v30  }
0x145: {  	v31 =	vsub.f32 v31, v5;
	v12 =	vcvt.f32.s32 v12;
	v14 =	vcvt.f32.s32 v14  }
0x146: {  	v33 =	vsub.f32 v33, v5;
	v16 =	vcvt.f32.s32 v16;
	v23 =	vtrunc.f32 v23  }
0x147: {  	v48 =	vcvt.f32.s32 v32;
	v31 =	vtrunc.f32 v31  }
0x148: {  	v33 =	vtrunc.f32 v33;
	vm0 =	vlt.s32 v22, $0x63;
	vm1 =	vlt.s32 v27, $0x63  }
0x149: {  	vm12 =	vlt.s32 v29, $0x63;
	vm11 =	vlt.s32 v26, $0x63;
	vm5 =	vlt.s32 v28, $0x63  }
0x14a: {  	vm4 =	vlt.s32 v30, $0x63;
	vm7 =	vlt.s32 v12, $0x63;
	v47 =	vcvt.f32.s32 v23  }
0x14b: {  	[tilespmem:v21+s17+$0x0] =	vst.idx.add.f32.msk $0xffff, v2;
	vm8 =	vlt.s32 v14, $0x63;
	vm9 =	vlt.s32 v16, $0x63;
	v24 =	vmul.f32 v24, v6  }
0x14c: {  	[tilespmem:v20+s17+$0x0] =	vst.idx.add.f32.msk $0xffff, v2;
	v45 =	vnsel vm0, $0x63, v22;
	v46 =	vnsel vm1, $0x63, v27;
	v49 =	vcvt.f32.s32 v31  }
0x14d: {  	[tilespmem:v15+s17+$0x0] =	vst.idx.add.f32.msk $0xffff, v2;
	v50 =	vcvt.f32.s32 v33;
	vm6 =	vlt.s32 v48, $0x63;
	v53 =	vnsel vm12, $0x63, v29  }
0x14e: {  	[tilespmem:v8+s17+$0x0] =	vst.idx.add.f32.msk $0xffff, v2;
	v56 =	vnsel vm11, $0x63, v26;
	v57 =	vnsel vm5, $0x63, v28;
	v8 =	vnsel vm4, $0x63, v30  }
0x14f: {  	[tilespmem:v7+s17+$0x0] =	vst.idx.add.f32.msk $0xffff, v2;
	v7 =	vnsel vm7, $0x63, v12;
	v58 =	vnsel vm8, $0x63, v14;
	v59 =	vnsel vm9, $0x63, v16  }
0x150: {  	[tilespmem:v13+s17+$0x0] =	vst.idx.add.f32.msk $0xffff, v2;
	v25 =	vmul.f32 v25, v6;
	vm10 =	vlt.s32 v47, $0x63;
	v54 =	vshll.u32 v45, $0x7  }
0x151: {  	[tilespmem:v10+s17+$0x0] =	vst.idx.add.f32.msk $0xffff, v2;
	v55 =	vshll.u32 v46, $0x7;
	v13 =	vshll.u32 v53, $0x7;
	v10 =	vshll.u32 v56, $0x7  }
0x152: {  	[tilespmem:v9+s17+$0x0] =	vst.idx.add.f32.msk $0xffff, v2;
	v9 =	vshll.u32 v57, $0x7;
	v8 =	vshll.u32 v8, $0x7;
	v15 =	vor.u32 v1, v54  }
0x153: {  	[tilespmem:v11+s17+$0x0] =	vst.idx.add.f32.msk $0xffff, v2;
	v7 =	vshll.u32 v7, $0x7;
	v12 =	vshll.u32 v58, $0x7;
	v11 =	vor.u32 v1, v55  }
0x154: {  	[tilespmem:v19+s17+$0x0] =	vst.idx.add.f32.msk $0xffff, v2;
	v14 =	vshll.u32 v59, $0x7;
	v61 =	vnsel vm6, $0x63, v48;
	v13 =	vor.u32 v1, v13  }
0x155: {  	[tilespmem:v18+s17+$0x0] =	vst.idx.add.f32.msk $0xffff, v2;
	v24 =	vsub.f32 v24, v5;
	vm3 =	vlt.s32 v49, $0x63;
	v10 =	vor.u32 v1, v10  }
0x156: {  	[tilespmem:v17+s17+$0x0] =	vst.idx.add.f32.msk $0xffff, v2;
	vm2 =	vlt.s32 v50, $0x63;
	v9 =	vor.u32 v1, v9;
	v8 =	vor.u32 v1, v8  }
0x157: {  	v7 =	vor.u32 v1, v7;
	v60 =	vnsel vm10, $0x63, v47;
	v25 =	vsub.f32 v25, v5;
	[tilespmem:v15+s17+$0x0] =	vst.idx.add.f32.msk $0xffff, v2  }
0x158: {  	v12 =	vor.u32 v1, v12;
	v14 =	vor.u32 v1, v14;
	v24 =	vtrunc.f32 v24;
	[tilespmem:v11+s17+$0x0] =	vst.idx.add.f32.msk $0xffff, v2  }
0x159: {  	v62 =	vnsel vm3, $0x63, v49;
	v25 =	vtrunc.f32 v25;
	v51 =	vcvt.f32.s32 v24;
	[tilespmem:v13+s17+$0x0] =	vst.idx.add.f32.msk $0xffff, v2  }
0x15a: {  	v63 =	vnsel vm2, $0x63, v50;
	v52 =	vcvt.f32.s32 v25;
	v11 =	vshll.u32 v60, $0x7;
	[tilespmem:v10+s17+$0x0] =	vst.idx.add.f32.msk $0xffff, v2  }
0x15b: {  	vm14 =	vlt.s32 v51, $0x63;
	v13 =	vshll.u32 v61, $0x7;
	[tilespmem:v9+s17+$0x0] =	vst.idx.add.f32.msk $0xffff, v2;
	v11 =	vor.u32 v1, v11  }
0x15c: {  	v10 =	vshll.u32 v62, $0x7;
	[tilespmem:v8+s17+$0x0] =	vst.idx.add.f32.msk $0xffff, v2;
	v9 =	vshll.u32 v63, $0x7;
	v13 =	vor.u32 v1, v13  }
0x15d: {  	[tilespmem:v7+s17+$0x0] =	vst.idx.add.f32.msk $0xffff, v2;
	vm15 =	vlt.s32 v52, $0x63;
	v8 =	vnsel vm14, $0x63, v51;
	v10 =	vor.u32 v1, v10  }
0x15e: {  	[tilespmem:v12+s17+$0x0] =	vst.idx.add.f32.msk $0xffff, v2;
	v9 =	vor.u32 v1, v9;
	v7 =	vnsel vm15, $0x63, v52;
	v8 =	vshll.u32 v8, $0x7  }
0x15f: {  	p1 =	sne.s32 s25, s24;
	[tilespmem:v14+s17+$0x0] =	vst.idx.add.f32.msk $0xffff, v2;
	v7 =	vshll.u32 v7, $0x7;
	v8 =	vor.u32 v1, v8  }
0x160: {  	s0 =	simm.s32 $0x1;
	s23 =	sadd.s32 $0x1, s23;
	p0 =	por p0, p1;
	v7 =	vor.u32 v1, v7;
	[tilespmem:v11+s17+$0x0] =	vst.idx.add.f32.msk $0xffff, v2  }
0x161: {  	s0 =	simm.s32 @!p0 $0x0;
	p0 =	sne.s32 s23, $0x40;
	[tilespmem:v13+s17+$0x0] =	vst.idx.add.f32.msk $0xffff, v2  }
.Ltmp2:
0x162: {  	[tilespmem:v10+s17+$0x0] =	vst.idx.add.f32.msk $0xffff, v2;
	(pc) =	sbr.rel @p0 .LBB2_4-.Ltmp2, $4  }
0x163: {  	[tilespmem:v9+s17+$0x0] =	vst.idx.add.f32.msk $0xffff, v2  }
0x164: {  	[tilespmem:v8+s17+$0x0] =	vst.idx.add.f32.msk $0xffff, v2  }
0x165: {  	s21 =	sadd.s32 s21, s29;
	s25 =	smov.u32 s24;
	[tilespmem:v7+s17+$0x0] =	vst.idx.add.f32.msk $0xffff, v2  }
0x166: {  	s22 =	sadd.s32 s0, s22;
	s20 =	sadd.s32 s0, s20;
	_ =	strace $0x9000004D  }
0x167: {  	[hbm4b:s9+s5] =	stream.linear.scatter [tilespmem:s13], [sflag:$0x1], $0x4000, $0x38;
	[tilespmem:$0x18080] =	vst v63  }
0x168: {  	s18 =	sadd.s32 $0x1, s18;
	_ =	swait.ge [sflag:s12], $0x4000  }
0x169: {  	p0 =	sne.s32 s18, s11;
	[sflag:s12] =	ssyncset.done $0x0  }
.Ltmp3:
0x16a: {  	[sflag:s12] =	ssyncadd.s32 $0xFFFFC000;
	(pc) =	sbr.rel @p0 .LBB2_1-.Ltmp3, $4  }
0x16b: {  	[hbm4b:s10+s5] =	stream.linear.scatter [tilespmem:s17], [sflag:$0x1], $0x4000, $0x38;
	[tilespmem:$0x18080] =	vst v63  }
0x16c: {  	_ =	swait.ge [sflag:s12], $0x4000  }
0x16d: {  	[sflag:s12] =	ssyncset.done $0x0  }
0x16e: {  	[sflag:s12] =	ssyncadd.s32 $0xFFFFC000  }
0x16f: {  	_ =	sfence.sel $0x180000  }
0x170: {  	[bflag:$0x0] =	sbarrier.arrive $0xFFFF  }
0x171: {  	_ =	strace $0x90000047  }
0x172: {  	s0 =	stileid.u32;
	[bflag:$0x2] =	sbarrier.arrive $0xFFFF  }
0x173: {  	p0 =	sne.s32 s0, $0x0;
	s0 =	rddreg [dreg:$0x4]  }
0x174: {  	s0 =	sadd.s32 @!p0 $0x100000, s0  }
0x175: {  	[sflag:s0] =	ssyncadd.tile.s32 @!p0 $0x1;
	_ =	shalt  }
.Lfunc_end2:
_tile_overlayer_lowered:
.L_overlay_start_2:
0x176: {  	(tag) =	ssettag $0x2  }
0x177: {  	s0 =	rddreg [dreg:$0x0];
	s2 =	stileid.u32  }
0x178: {  	s1 =	rddreg [dreg:$0x1];
	p0 =	sne.s32 s2, $0x0  }
0x179: {  	s3 =	rddreg [dreg:$0x2];
	[bflag:$0x3] =	sbarrier.arrive $0xFFFF;
	s2 =	simm.s32 @!p0 $0x1C01  }
0x17a: {  	[timem:s3], [sflag:s2] =	dma.local @!p0 [hbm:s0], s1  }
0x17b: {  	s0 =	simm.s32 @!p0 $0x1  }
0x17c: {  	_ =	swait.ge @!p0 [sflag:s0], s1  }
0x17d: {  	s1 =	ssub.s32 @!p0 $0x0, s1;
	[sflag:s0] =	ssyncset.done @!p0 $0x0  }
0x17e: {  	[sflag:s0] =	ssyncadd.s32 @!p0 s1  }
0x17f: {  	[bflag:$0x3] =	sbarrier.arrive $0xFFFF  }
0x180: {  	_ =	shalt  }

</sc_bundles>
